<compile_context>
chip_gen: v7x
topology: tpu7x:2x2x1
jax: 0.10.2.dev20260603
libtpu: 0.0.44.dev20260713+nightly
codegen_flags: <defaults>
</compile_context>

<pallas_src>
import functools
import jax
import jax.numpy as jnp
from jax import lax
from jax.experimental import pallas as pl
from jax.experimental.pallas import tpu as pltpu
from jax.experimental.pallas import tpu_sc as plsc

B, S, D = 4096, 200, 64
NUM_CATEGORIES = 32
NW = 32
RPW = B // NW
TWR = 2
TWN = TWR * S
NBUF = 4


def _sc_body(scal_h, wt_h, daysf_h, catsf_h, emb_h, out_h,
             dr_v, wt_v, days_v, cats_v, tw_v,
             emb_v0, emb_v1, emb_v2, emb_v3, in_sem, out_sem):
    c = lax.axis_index("c")
    sub = lax.axis_index("s")
    wid = sub * 2 + c
    base = wid * RPW
    pltpu.sync_copy(scal_h, dr_v)
    pltpu.sync_copy(wt_h, wt_v)

    bufs = (emb_v0, emb_v1, emb_v2, emb_v3)

    def in_cp(k, b):
        return pltpu.make_async_copy(
            emb_h.at[base + k], bufs[b], in_sem.at[b])

    def out_cp(k, b):
        return pltpu.make_async_copy(
            bufs[b], out_h.at[base + k], out_sem.at[b])

    def compute(k, b):
        @pl.when(lax.rem(k, 2) == 0)
        def _():
            f0 = (base + k) * S
            pltpu.sync_copy(daysf_h.at[pl.ds(f0, TWN)], days_v)
            pltpu.sync_copy(catsf_h.at[pl.ds(f0, TWN)], cats_v)

            @plsc.parallel_loop(0, TWN // 16, step=1, unroll=5)
            def tw_body(v):
                dvec = days_v[pl.ds(v * 16, 16)]
                cvec = cats_v[pl.ds(v * 16, 16)]
                wv = plsc.load_gather(wt_v, [cvec])
                tw_v[pl.ds(v * 16, 16)] = jnp.exp(dvec * (-dr_v[...])) * wv

        in_cp(k, b).wait()
        ev = bufs[b]
        twbase = lax.rem(k, 2) * S

        @plsc.parallel_loop(0, S, step=1, unroll=8)
        def mul_body(ss):
            wv = plsc.load_gather(tw_v, [jnp.full((16,), twbase + ss, jnp.int32)])
            for l in range(D // 16):
                ev[ss, pl.ds(l * 16, 16)] = ev[ss, pl.ds(l * 16, 16)] * wv

    for j in range(NBUF - 1):
        in_cp(j, j).start()

    def group_body(g, carry):
        for b in range(NBUF):
            k = g * NBUF + b
            compute(k, b)
            out_cp(k, b).start()

            @pl.when(k + NBUF - 1 < RPW)
            def _():
                @pl.when(k >= 1)
                def _():
                    out_cp(k - 1, (b - 1) % NBUF).wait()
                in_cp(k + NBUF - 1, (b + NBUF - 1) % NBUF).start()
        return carry

    lax.fori_loop(0, RPW // NBUF, group_body, 0)
    for j in range(NBUF):
        out_cp(RPW - NBUF + j, j).wait()


def kernel(embeddings, days_ago, event_categories, event_weights, decay_rate):
    cats = event_categories.astype(jnp.int32).reshape(B * S)
    daysf = days_ago.reshape(B * S)
    scal = jnp.full((16,), decay_rate, jnp.float32)
    mesh = plsc.VectorSubcoreMesh(core_axis_name="c", subcore_axis_name="s")
    k = functools.partial(
        pl.kernel,
        out_type=jax.ShapeDtypeStruct((B, S, D), jnp.float32),
        mesh=mesh,
        scratch_types=[
            pltpu.VMEM((16,), jnp.float32),
            pltpu.VMEM((NUM_CATEGORIES,), jnp.float32),
            pltpu.VMEM((TWN,), jnp.float32),
            pltpu.VMEM((TWN,), jnp.int32),
            pltpu.VMEM((TWN,), jnp.float32),
            pltpu.VMEM((S, D), jnp.float32),
            pltpu.VMEM((S, D), jnp.float32),
            pltpu.VMEM((S, D), jnp.float32),
            pltpu.VMEM((S, D), jnp.float32),
            pltpu.SemaphoreType.DMA((NBUF,)),
            pltpu.SemaphoreType.DMA((NBUF,)),
        ],
        compiler_params=pltpu.CompilerParams(needs_layout_passes=False),
    )(_sc_body)
    return k(scal, event_weights, daysf, cats, embeddings)

# --- scband reference (transcript-rebuilt; emitter-appended) ---
"""Pipeline reference for scband-learnable-temporal-weights-27324581937649 (READ-ONLY COPY).

The authoritative reference and input builder live on the scoring server;
editing this copy changes nothing except your own understanding.
"""

import jax, jax.numpy as jnp
import numpy as np

NUM_CATEGORIES = 32
INITIAL_DECAY_RATE = 0.1
B, S, D = 4096, 200, 64

def setup_inputs(seed: int = 0) -> dict:
    key = jax.random.key(seed)
    k1, k2, k3 = jax.random.split(key, 3)
    embeddings = jax.random.normal(k1, (B, S, D), dtype=jnp.float32)
    # days since event, scaled to [0, 30)
    days_ago = jax.random.uniform(k2, (B, S), dtype=jnp.float32) * 30.0
    event_categories = jax.random.randint(k3, (B, S), 0, NUM_CATEGORIES, dtype=jnp.int64)
    # learned parameters (per nn.Parameter init)
    event_weights = jnp.ones((NUM_CATEGORIES,), dtype=jnp.float32)
    decay_rate = jnp.asarray(INITIAL_DECAY_RATE, dtype=jnp.float32)
    return {
        "embeddings": embeddings,
        "days_ago": days_ago,
        "event_categories": event_categories,
        "event_weights": event_weights,
        "decay_rate": decay_rate,
    }

def reference(embeddings, days_ago, event_categories, event_weights, decay_rate):
    # time decay: exp(-decay_rate * days_ago)
    time_decay = jnp.exp(-decay_rate * days_ago)
    # embedding lookup into the learned per-category weight table
    event_importance = jnp.take(event_weights, event_categories, axis=0)
    temporal_weights = time_decay * event_importance  # (B, S)
    weighted_embeddings = embeddings * temporal_weights[..., None]  # (B, S, D)
    return weighted_embeddings

if __name__ == "__main__":
    import jax
    _d = setup_inputs()
    print(jax.jit(kernel)(*tuple(_d.values())))

</pallas_src>

<mosaic_0001>
#map = affine_map<(d0, d1) -> (0)>
#map1 = affine_map<(d0, d1) -> (0, 0, 0)>
module attributes {stable_mosaic.version = 14 : i64} {
  func.func @_sc_body(%arg0: i32, %arg1: i32, %arg2: memref<16xf32, #tpu.memory_space<hbm>>, %arg3: memref<32xf32, #tpu.memory_space<hbm>>, %arg4: memref<819200xf32, #tpu.memory_space<hbm>>, %arg5: memref<819200xi32, #tpu.memory_space<hbm>>, %arg6: memref<4096x200x64xf32, #tpu.memory_space<hbm>>, %arg7: memref<4096x200x64xf32, #tpu.memory_space<hbm>>, %arg8: memref<16xf32, #tpu.memory_space<vmem>>, %arg9: memref<32xf32, #tpu.memory_space<vmem>>, %arg10: memref<400xf32, #tpu.memory_space<vmem>>, %arg11: memref<400xi32, #tpu.memory_space<vmem>>, %arg12: memref<400xf32, #tpu.memory_space<vmem>>, %arg13: memref<200x64xf32, #tpu.memory_space<vmem>>, %arg14: memref<200x64xf32, #tpu.memory_space<vmem>>, %arg15: memref<200x64xf32, #tpu.memory_space<vmem>>, %arg16: memref<200x64xf32, #tpu.memory_space<vmem>>, %arg17: memref<4x!tpu.dma_semaphore, #tpu.memory_space<semaphore_mem>>, %arg18: memref<4x!tpu.dma_semaphore, #tpu.memory_space<semaphore_mem>>) attributes {dimension_semantics = [#tpu.dimension_semantics<core_parallel>, #tpu.dimension_semantics<subcore_parallel>], iteration_bounds = array<i64: 2, 16>, scalar_prefetch = 0 : i64, scratch_operands = 11 : i64, tpu.core_type = #tpu.core_type<sc_vector_subcore>, window_params = [{transform_indices = #map}, {transform_indices = #map}, {transform_indices = #map}, {transform_indices = #map}, {transform_indices = #map1}, {transform_indices = #map1}]} {
    %mul3A = arith.constant 2 : i32
    %mul3A_0 = arith.muli %arg1, %mul3A : i32
    %add3A = arith.addi %mul3A_0, %arg0 : i32
    %mul3A_1 = arith.constant 128 : i32
    %mul3A_2 = arith.muli %add3A, %mul3A_1 : i32
    "tpu.region"() ({
      %run_scoped3A = tpu.sem_alloc : memref<!tpu.dma_semaphore, #tpu.memory_space<semaphore_mem>>
      tpu.enqueue_dma source(%arg2 : memref<16xf32, #tpu.memory_space<hbm>>) target(%arg8 : memref<16xf32, #tpu.memory_space<vmem>>) target_semaphore(%run_scoped3A : memref<!tpu.dma_semaphore, #tpu.memory_space<semaphore_mem>>)
      tpu.wait_dma2 semaphore(%run_scoped3A : memref<!tpu.dma_semaphore, #tpu.memory_space<semaphore_mem>>) src(%arg2 : memref<16xf32, #tpu.memory_space<hbm>>) dst(%arg8 : memref<16xf32, #tpu.memory_space<vmem>>)
      tpu.yield
    }) : () -> ()
    "tpu.region"() ({
      %run_scoped3A = tpu.sem_alloc : memref<!tpu.dma_semaphore, #tpu.memory_space<semaphore_mem>>
      tpu.enqueue_dma source(%arg3 : memref<32xf32, #tpu.memory_space<hbm>>) target(%arg9 : memref<32xf32, #tpu.memory_space<vmem>>) target_semaphore(%run_scoped3A : memref<!tpu.dma_semaphore, #tpu.memory_space<semaphore_mem>>)
      tpu.wait_dma2 semaphore(%run_scoped3A : memref<!tpu.dma_semaphore, #tpu.memory_space<semaphore_mem>>) src(%arg3 : memref<32xf32, #tpu.memory_space<hbm>>) dst(%arg9 : memref<32xf32, #tpu.memory_space<vmem>>)
      tpu.yield
    }) : () -> ()
    %add3A_3 = arith.constant 0 : i32
    %add3A_4 = arith.addi %mul3A_2, %add3A_3 : i32
    %dma_start3A = arith.constant 0 : i32
    %dma_start3A_5 = arith.constant 0 : i32
    %dma_start3A_6 = arith.constant 0 : i32
    %dma_start3A_7 = tpu.memref_slice %arg6[%add3A_4, %dma_start3A_5, %dma_start3A_6] : memref<4096x200x64xf32, #tpu.memory_space<hbm>> -> memref<1x200x64xf32, #tpu.memory_space<hbm>>
    %dma_start3A_8 = tpu.memref_squeeze %dma_start3A_7 : memref<1x200x64xf32, #tpu.memory_space<hbm>> -> memref<200x64xf32, #tpu.memory_space<hbm>>
    %dma_start3A_9 = tpu.memref_slice %arg17[%dma_start3A] : memref<4x!tpu.dma_semaphore, #tpu.memory_space<semaphore_mem>> -> memref<1x!tpu.dma_semaphore, #tpu.memory_space<semaphore_mem>>
    %dma_start3A_10 = tpu.memref_squeeze %dma_start3A_9 : memref<1x!tpu.dma_semaphore, #tpu.memory_space<semaphore_mem>> -> memref<!tpu.dma_semaphore, #tpu.memory_space<semaphore_mem>>
    %dma_start3A_11 = arith.constant 0 : i32
    %dma_start3A_12 = arith.constant 0 : i32
    %dma_start3A_13 = tpu.memref_slice %arg6[%add3A_4, %dma_start3A_11, %dma_start3A_12] : memref<4096x200x64xf32, #tpu.memory_space<hbm>> -> memref<1x200x64xf32, #tpu.memory_space<hbm>>
    %dma_start3A_14 = tpu.memref_squeeze %dma_start3A_13 : memref<1x200x64xf32, #tpu.memory_space<hbm>> -> memref<200x64xf32, #tpu.memory_space<hbm>>
    tpu.enqueue_dma source(%dma_start3A_14 : memref<200x64xf32, #tpu.memory_space<hbm>>) target(%arg13 : memref<200x64xf32, #tpu.memory_space<vmem>>) target_semaphore(%dma_start3A_10 : memref<!tpu.dma_semaphore, #tpu.memory_space<semaphore_mem>>)
    %add3A_15 = arith.constant 1 : i32
    %add3A_16 = arith.addi %mul3A_2, %add3A_15 : i32
    %dma_start3A_17 = arith.constant 1 : i32
    %dma_start3A_18 = arith.constant 0 : i32
    %dma_start3A_19 = arith.constant 0 : i32
    %dma_start3A_20 = tpu.memref_slice %arg6[%add3A_16, %dma_start3A_18, %dma_start3A_19] : memref<4096x200x64xf32, #tpu.memory_space<hbm>> -> memref<1x200x64xf32, #tpu.memory_space<hbm>>
    %dma_start3A_21 = tpu.memref_squeeze %dma_start3A_20 : memref<1x200x64xf32, #tpu.memory_space<hbm>> -> memref<200x64xf32, #tpu.memory_space<hbm>>
    %dma_start3A_22 = tpu.memref_slice %arg17[%dma_start3A_17] : memref<4x!tpu.dma_semaphore, #tpu.memory_space<semaphore_mem>> -> memref<1x!tpu.dma_semaphore, #tpu.memory_space<semaphore_mem>>
    %dma_start3A_23 = tpu.memref_squeeze %dma_start3A_22 : memref<1x!tpu.dma_semaphore, #tpu.memory_space<semaphore_mem>> -> memref<!tpu.dma_semaphore, #tpu.memory_space<semaphore_mem>>
    %dma_start3A_24 = arith.constant 0 : i32
    %dma_start3A_25 = arith.constant 0 : i32
    %dma_start3A_26 = tpu.memref_slice %arg6[%add3A_16, %dma_start3A_24, %dma_start3A_25] : memref<4096x200x64xf32, #tpu.memory_space<hbm>> -> memref<1x200x64xf32, #tpu.memory_space<hbm>>
    %dma_start3A_27 = tpu.memref_squeeze %dma_start3A_26 : memref<1x200x64xf32, #tpu.memory_space<hbm>> -> memref<200x64xf32, #tpu.memory_space<hbm>>
    tpu.enqueue_dma source(%dma_start3A_27 : memref<200x64xf32, #tpu.memory_space<hbm>>) target(%arg14 : memref<200x64xf32, #tpu.memory_space<vmem>>) target_semaphore(%dma_start3A_23 : memref<!tpu.dma_semaphore, #tpu.memory_space<semaphore_mem>>)
    %add3A_28 = arith.constant 2 : i32
    %add3A_29 = arith.addi %mul3A_2, %add3A_28 : i32
    %dma_start3A_30 = arith.constant 2 : i32
    %dma_start3A_31 = arith.constant 0 : i32
    %dma_start3A_32 = arith.constant 0 : i32
    %dma_start3A_33 = tpu.memref_slice %arg6[%add3A_29, %dma_start3A_31, %dma_start3A_32] : memref<4096x200x64xf32, #tpu.memory_space<hbm>> -> memref<1x200x64xf32, #tpu.memory_space<hbm>>
    %dma_start3A_34 = tpu.memref_squeeze %dma_start3A_33 : memref<1x200x64xf32, #tpu.memory_space<hbm>> -> memref<200x64xf32, #tpu.memory_space<hbm>>
    %dma_start3A_35 = tpu.memref_slice %arg17[%dma_start3A_30] : memref<4x!tpu.dma_semaphore, #tpu.memory_space<semaphore_mem>> -> memref<1x!tpu.dma_semaphore, #tpu.memory_space<semaphore_mem>>
    %dma_start3A_36 = tpu.memref_squeeze %dma_start3A_35 : memref<1x!tpu.dma_semaphore, #tpu.memory_space<semaphore_mem>> -> memref<!tpu.dma_semaphore, #tpu.memory_space<semaphore_mem>>
    %dma_start3A_37 = arith.constant 0 : i32
    %dma_start3A_38 = arith.constant 0 : i32
    %dma_start3A_39 = tpu.memref_slice %arg6[%add3A_29, %dma_start3A_37, %dma_start3A_38] : memref<4096x200x64xf32, #tpu.memory_space<hbm>> -> memref<1x200x64xf32, #tpu.memory_space<hbm>>
    %dma_start3A_40 = tpu.memref_squeeze %dma_start3A_39 : memref<1x200x64xf32, #tpu.memory_space<hbm>> -> memref<200x64xf32, #tpu.memory_space<hbm>>
    tpu.enqueue_dma source(%dma_start3A_40 : memref<200x64xf32, #tpu.memory_space<hbm>>) target(%arg15 : memref<200x64xf32, #tpu.memory_space<vmem>>) target_semaphore(%dma_start3A_36 : memref<!tpu.dma_semaphore, #tpu.memory_space<semaphore_mem>>)
    %scan3A = arith.constant 0 : i32
    %scan3A_41 = arith.constant 0 : i32
    %scan3A_42 = arith.constant 32 : i32
    %scan3A_43 = arith.addi %scan3A_41, %scan3A_42 : i32
    %scan3A_44 = arith.constant 1 : i32
    scf.for %scan3A_97 = %scan3A_41 to %scan3A_43 step %scan3A_44  : i32 {
      %mul3A_98 = arith.constant 4 : i32
      %mul3A_99 = arith.muli %scan3A_97, %mul3A_98 : i32
      %add3A_100 = arith.constant 0 : i32
      %add3A_101 = arith.addi %mul3A_99, %add3A_100 : i32
      %rem3A = arith.constant 2 : i32
      %rem3A_102 = arith.remsi %add3A_101, %rem3A : i32
      %eq3A = arith.constant 0 : i32
      %eq3A_103 = arith.cmpi eq, %rem3A_102, %eq3A : i32
      %convert_element_type3A = arith.extui %eq3A_103 : i1 to i32
      %cond3A = arith.constant 0 : i32
      %cond3A_104 = arith.cmpi ne, %convert_element_type3A, %cond3A : i32
      scf.if %cond3A_104 {
        %add3A_295 = arith.addi %mul3A_2, %add3A_101 : i32
        %mul3A_296 = arith.constant 200 : i32
        %mul3A_297 = arith.muli %add3A_295, %mul3A_296 : i32
        "tpu.region"() ({
          %run_scoped3A = tpu.sem_alloc : memref<!tpu.dma_semaphore, #tpu.memory_space<semaphore_mem>>
          %dma_start3A_301 = tpu.memref_slice %arg4[%mul3A_297] : memref<819200xf32, #tpu.memory_space<hbm>> -> memref<400xf32, #tpu.memory_space<hbm>>
          %dma_start3A_302 = tpu.memref_slice %arg4[%mul3A_297] : memref<819200xf32, #tpu.memory_space<hbm>> -> memref<400xf32, #tpu.memory_space<hbm>>
          tpu.enqueue_dma source(%dma_start3A_302 : memref<400xf32, #tpu.memory_space<hbm>>) target(%arg10 : memref<400xf32, #tpu.memory_space<vmem>>) target_semaphore(%run_scoped3A : memref<!tpu.dma_semaphore, #tpu.memory_space<semaphore_mem>>)
          %dma_wait3A_303 = tpu.memref_slice %arg4[%mul3A_297] : memref<819200xf32, #tpu.memory_space<hbm>> -> memref<400xf32, #tpu.memory_space<hbm>>
          %dma_wait3A_304 = tpu.memref_slice %arg4[%mul3A_297] : memref<819200xf32, #tpu.memory_space<hbm>> -> memref<400xf32, #tpu.memory_space<hbm>>
          tpu.wait_dma2 semaphore(%run_scoped3A : memref<!tpu.dma_semaphore, #tpu.memory_space<semaphore_mem>>) src(%dma_wait3A_304 : memref<400xf32, #tpu.memory_space<hbm>>) dst(%arg10 : memref<400xf32, #tpu.memory_space<vmem>>)
          tpu.yield
        }) : () -> ()
        "tpu.region"() ({
          %run_scoped3A = tpu.sem_alloc : memref<!tpu.dma_semaphore, #tpu.memory_space<semaphore_mem>>
          %dma_start3A_301 = tpu.memref_slice %arg5[%mul3A_297] : memref<819200xi32, #tpu.memory_space<hbm>> -> memref<400xi32, #tpu.memory_space<hbm>>
          %dma_start3A_302 = tpu.memref_slice %arg5[%mul3A_297] : memref<819200xi32, #tpu.memory_space<hbm>> -> memref<400xi32, #tpu.memory_space<hbm>>
          tpu.enqueue_dma source(%dma_start3A_302 : memref<400xi32, #tpu.memory_space<hbm>>) target(%arg11 : memref<400xi32, #tpu.memory_space<vmem>>) target_semaphore(%run_scoped3A : memref<!tpu.dma_semaphore, #tpu.memory_space<semaphore_mem>>)
          %dma_wait3A_303 = tpu.memref_slice %arg5[%mul3A_297] : memref<819200xi32, #tpu.memory_space<hbm>> -> memref<400xi32, #tpu.memory_space<hbm>>
          %dma_wait3A_304 = tpu.memref_slice %arg5[%mul3A_297] : memref<819200xi32, #tpu.memory_space<hbm>> -> memref<400xi32, #tpu.memory_space<hbm>>
          tpu.wait_dma2 semaphore(%run_scoped3A : memref<!tpu.dma_semaphore, #tpu.memory_space<semaphore_mem>>) src(%dma_wait3A_304 : memref<400xi32, #tpu.memory_space<hbm>>) dst(%arg11 : memref<400xi32, #tpu.memory_space<vmem>>)
          tpu.yield
        }) : () -> ()
        %parallel_loop3A_298 = arith.constant 0 : i32
        %parallel_loop3A_299 = arith.constant 25 : i32
        %parallel_loop3A_300 = arith.constant 1 : i32
        scf.for %parallel_loop3A_301 = %parallel_loop3A_298 to %parallel_loop3A_299 step %parallel_loop3A_300  : i32 {
          %parallel_loop3A_302 = arith.constant 16 : i32
          %parallel_loop3A_303 = arith.muli %parallel_loop3A_301, %parallel_loop3A_302 : i32
          %parallel_loop3A_304 = arith.index_cast %parallel_loop3A_303 : i32 to index
          %parallel_loop3A_305 = tpu.vector_load %arg10[%parallel_loop3A_304] {strides = array<i32>} : memref<400xf32, #tpu.memory_space<vmem>>, vector<16xf32>,
          %parallel_loop3A_306 = arith.constant 16 : i32
          %parallel_loop3A_307 = arith.muli %parallel_loop3A_301, %parallel_loop3A_306 : i32
          %parallel_loop3A_308 = arith.index_cast %parallel_loop3A_307 : i32 to index
          %parallel_loop3A_309 = tpu.vector_load %arg11[%parallel_loop3A_308] {strides = array<i32>} : memref<400xi32, #tpu.memory_space<vmem>>, vector<16xi32>,
          %parallel_loop3A_310 = tpu.vector_load_idx %arg9[%parallel_loop3A_309] : memref<32xf32, #tpu.memory_space<vmem>>[vector<16xi32>], vector<16xf32>,
          %parallel_loop3A_311 = arith.constant 0 : index
          %parallel_loop3A_312 = tpu.vector_load %arg8[%parallel_loop3A_311] {strides = array<i32>} : memref<16xf32, #tpu.memory_space<vmem>>, vector<16xf32>,
          %parallel_loop3A_313 = arith.constant 0.000000e+00 : f32
          %parallel_loop3A_314 = vector.broadcast %parallel_loop3A_313 : f32 to vector<16xf32>
          %parallel_loop3A_315 = arith.subf %parallel_loop3A_314, %parallel_loop3A_312 : vector<16xf32>
          %parallel_loop3A_316 = arith.mulf %parallel_loop3A_305, %parallel_loop3A_315 : vector<16xf32>
          %parallel_loop3A_317 = math.exp %parallel_loop3A_316 : vector<16xf32>
          %parallel_loop3A_318 = arith.mulf %parallel_loop3A_317, %parallel_loop3A_310 : vector<16xf32>
          %parallel_loop3A_319 = arith.constant 16 : i32
          %parallel_loop3A_320 = arith.muli %parallel_loop3A_301, %parallel_loop3A_319 : i32
          %parallel_loop3A_321 = arith.index_cast %parallel_loop3A_320 : i32 to index
          %parallel_loop3A_322 = tpu.vector_load %arg12[%parallel_loop3A_321] {strides = array<i32>} : memref<400xf32, #tpu.memory_space<vmem>>, vector<16xf32>,
          tpu.vector_store %arg12[%parallel_loop3A_321], %parallel_loop3A_318 {strides = array<i32>} : memref<400xf32, #tpu.memory_space<vmem>>, vector<16xf32>,
        } {sc.loop_unroll_factor = 5 : i64, sc.parallel_access}
      } else {
      }
      %add3A_105 = arith.addi %mul3A_2, %add3A_101 : i32
      %dma_wait3A_106 = arith.constant 0 : i32
      %dma_wait3A_107 = arith.constant 0 : i32
      %dma_wait3A_108 = arith.constant 0 : i32
      %dma_wait3A_109 = tpu.memref_slice %arg6[%add3A_105, %dma_wait3A_107, %dma_wait3A_108] : memref<4096x200x64xf32, #tpu.memory_space<hbm>> -> memref<1x200x64xf32, #tpu.memory_space<hbm>>
      %dma_wait3A_110 = tpu.memref_squeeze %dma_wait3A_109 : memref<1x200x64xf32, #tpu.memory_space<hbm>> -> memref<200x64xf32, #tpu.memory_space<hbm>>
      %dma_wait3A_111 = tpu.memref_slice %arg17[%dma_wait3A_106] : memref<4x!tpu.dma_semaphore, #tpu.memory_space<semaphore_mem>> -> memref<1x!tpu.dma_semaphore, #tpu.memory_space<semaphore_mem>>
      %dma_wait3A_112 = tpu.memref_squeeze %dma_wait3A_111 : memref<1x!tpu.dma_semaphore, #tpu.memory_space<semaphore_mem>> -> memref<!tpu.dma_semaphore, #tpu.memory_space<semaphore_mem>>
      %dma_wait3A_113 = arith.constant 0 : i32
      %dma_wait3A_114 = arith.constant 0 : i32
      %dma_wait3A_115 = tpu.memref_slice %arg6[%add3A_105, %dma_wait3A_113, %dma_wait3A_114] : memref<4096x200x64xf32, #tpu.memory_space<hbm>> -> memref<1x200x64xf32, #tpu.memory_space<hbm>>
      %dma_wait3A_116 = tpu.memref_squeeze %dma_wait3A_115 : memref<1x200x64xf32, #tpu.memory_space<hbm>> -> memref<200x64xf32, #tpu.memory_space<hbm>>
      tpu.wait_dma2 semaphore(%dma_wait3A_112 : memref<!tpu.dma_semaphore, #tpu.memory_space<semaphore_mem>>) src(%dma_wait3A_116 : memref<200x64xf32, #tpu.memory_space<hbm>>) dst(%arg13 : memref<200x64xf32, #tpu.memory_space<vmem>>)
      %rem3A_117 = arith.constant 2 : i32
      %rem3A_118 = arith.remsi %add3A_101, %rem3A_117 : i32
      %mul3A_119 = arith.constant 200 : i32
      %mul3A_120 = arith.muli %rem3A_118, %mul3A_119 : i32
      %parallel_loop3A = arith.constant 0 : i32
      %parallel_loop3A_121 = arith.constant 200 : i32
      %parallel_loop3A_122 = arith.constant 1 : i32
      scf.for %parallel_loop3A_295 = %parallel_loop3A to %parallel_loop3A_121 step %parallel_loop3A_122  : i32 {
        %parallel_loop3A_296 = arith.addi %mul3A_120, %parallel_loop3A_295 : i32
        %parallel_loop3A_297 = vector.broadcast %parallel_loop3A_296 : i32 to vector<16xi32>
        %parallel_loop3A_298 = tpu.vector_load_idx %arg12[%parallel_loop3A_297] : memref<400xf32, #tpu.memory_space<vmem>>[vector<16xi32>], vector<16xf32>,
        %parallel_loop3A_299 = arith.index_cast %parallel_loop3A_295 : i32 to index
        %parallel_loop3A_300 = arith.constant 0 : index
        %parallel_loop3A_301 = tpu.vector_load %arg13[%parallel_loop3A_299, %parallel_loop3A_300] {strides = array<i32>} : memref<200x64xf32, #tpu.memory_space<vmem>>, vector<16xf32>,
        %parallel_loop3A_302 = arith.mulf %parallel_loop3A_301, %parallel_loop3A_298 : vector<16xf32>
        %parallel_loop3A_303 = arith.index_cast %parallel_loop3A_295 : i32 to index
        %parallel_loop3A_304 = arith.constant 0 : index
        %parallel_loop3A_305 = tpu.vector_load %arg13[%parallel_loop3A_303, %parallel_loop3A_304] {strides = array<i32>} : memref<200x64xf32, #tpu.memory_space<vmem>>, vector<16xf32>,
        tpu.vector_store %arg13[%parallel_loop3A_303, %parallel_loop3A_304], %parallel_loop3A_302 {strides = array<i32>} : memref<200x64xf32, #tpu.memory_space<vmem>>, vector<16xf32>,
        %parallel_loop3A_306 = arith.index_cast %parallel_loop3A_295 : i32 to index
        %parallel_loop3A_307 = arith.constant 16 : index
        %parallel_loop3A_308 = tpu.vector_load %arg13[%parallel_loop3A_306, %parallel_loop3A_307] {strides = array<i32>} : memref<200x64xf32, #tpu.memory_space<vmem>>, vector<16xf32>,
        %parallel_loop3A_309 = arith.mulf %parallel_loop3A_308, %parallel_loop3A_298 : vector<16xf32>
        %parallel_loop3A_310 = arith.index_cast %parallel_loop3A_295 : i32 to index
        %parallel_loop3A_311 = arith.constant 16 : index
        %parallel_loop3A_312 = tpu.vector_load %arg13[%parallel_loop3A_310, %parallel_loop3A_311] {strides = array<i32>} : memref<200x64xf32, #tpu.memory_space<vmem>>, vector<16xf32>,
        tpu.vector_store %arg13[%parallel_loop3A_310, %parallel_loop3A_311], %parallel_loop3A_309 {strides = array<i32>} : memref<200x64xf32, #tpu.memory_space<vmem>>, vector<16xf32>,
        %parallel_loop3A_313 = arith.index_cast %parallel_loop3A_295 : i32 to index
        %parallel_loop3A_314 = arith.constant 32 : index
        %parallel_loop3A_315 = tpu.vector_load %arg13[%parallel_loop3A_313, %parallel_loop3A_314] {strides = array<i32>} : memref<200x64xf32, #tpu.memory_space<vmem>>, vector<16xf32>,
        %parallel_loop3A_316 = arith.mulf %parallel_loop3A_315, %parallel_loop3A_298 : vector<16xf32>
        %parallel_loop3A_317 = arith.index_cast %parallel_loop3A_295 : i32 to index
        %parallel_loop3A_318 = arith.constant 32 : index
        %parallel_loop3A_319 = tpu.vector_load %arg13[%parallel_loop3A_317, %parallel_loop3A_318] {strides = array<i32>} : memref<200x64xf32, #tpu.memory_space<vmem>>, vector<16xf32>,
        tpu.vector_store %arg13[%parallel_loop3A_317, %parallel_loop3A_318], %parallel_loop3A_316 {strides = array<i32>} : memref<200x64xf32, #tpu.memory_space<vmem>>, vector<16xf32>,
        %parallel_loop3A_320 = arith.index_cast %parallel_loop3A_295 : i32 to index
        %parallel_loop3A_321 = arith.constant 48 : index
        %parallel_loop3A_322 = tpu.vector_load %arg13[%parallel_loop3A_320, %parallel_loop3A_321] {strides = array<i32>} : memref<200x64xf32, #tpu.memory_space<vmem>>, vector<16xf32>,
        %parallel_loop3A_323 = arith.mulf %parallel_loop3A_322, %parallel_loop3A_298 : vector<16xf32>
        %parallel_loop3A_324 = arith.index_cast %parallel_loop3A_295 : i32 to index
        %parallel_loop3A_325 = arith.constant 48 : index
        %parallel_loop3A_326 = tpu.vector_load %arg13[%parallel_loop3A_324, %parallel_loop3A_325] {strides = array<i32>} : memref<200x64xf32, #tpu.memory_space<vmem>>, vector<16xf32>,
        tpu.vector_store %arg13[%parallel_loop3A_324, %parallel_loop3A_325], %parallel_loop3A_323 {strides = array<i32>} : memref<200x64xf32, #tpu.memory_space<vmem>>, vector<16xf32>,
      } {sc.loop_unroll_factor = 8 : i64, sc.parallel_access}
      %add3A_123 = arith.addi %mul3A_2, %add3A_101 : i32
      %dma_start3A_124 = arith.constant 0 : i32
      %dma_start3A_125 = arith.constant 0 : i32
      %dma_start3A_126 = arith.constant 0 : i32
      %dma_start3A_127 = tpu.memref_slice %arg7[%add3A_123, %dma_start3A_125, %dma_start3A_126] : memref<4096x200x64xf32, #tpu.memory_space<hbm>> -> memref<1x200x64xf32, #tpu.memory_space<hbm>>
      %dma_start3A_128 = tpu.memref_squeeze %dma_start3A_127 : memref<1x200x64xf32, #tpu.memory_space<hbm>> -> memref<200x64xf32, #tpu.memory_space<hbm>>
      %dma_start3A_129 = tpu.memref_slice %arg18[%dma_start3A_124] : memref<4x!tpu.dma_semaphore, #tpu.memory_space<semaphore_mem>> -> memref<1x!tpu.dma_semaphore, #tpu.memory_space<semaphore_mem>>
      %dma_start3A_130 = tpu.memref_squeeze %dma_start3A_129 : memref<1x!tpu.dma_semaphore, #tpu.memory_space<semaphore_mem>> -> memref<!tpu.dma_semaphore, #tpu.memory_space<semaphore_mem>>
      %dma_start3A_131 = arith.constant 0 : i32
      %dma_start3A_132 = arith.constant 0 : i32
      %dma_start3A_133 = tpu.memref_slice %arg7[%add3A_123, %dma_start3A_131, %dma_start3A_132] : memref<4096x200x64xf32, #tpu.memory_space<hbm>> -> memref<1x200x64xf32, #tpu.memory_space<hbm>>
      %dma_start3A_134 = tpu.memref_squeeze %dma_start3A_133 : memref<1x200x64xf32, #tpu.memory_space<hbm>> -> memref<200x64xf32, #tpu.memory_space<hbm>>
      tpu.enqueue_dma source(%arg13 : memref<200x64xf32, #tpu.memory_space<vmem>>) target(%dma_start3A_134 : memref<200x64xf32, #tpu.memory_space<hbm>>) target_semaphore(%dma_start3A_130 : memref<!tpu.dma_semaphore, #tpu.memory_space<semaphore_mem>>)
      %add3A_135 = arith.constant 4 : i32
      %add3A_136 = arith.addi %add3A_101, %add3A_135 : i32
      %sub3A = arith.constant 1 : i32
      %sub3A_137 = arith.subi %add3A_136, %sub3A : i32
      %lt3A = arith.constant 128 : i32
      %lt3A_138 = arith.cmpi slt, %sub3A_137, %lt3A : i32
      %convert_element_type3A_139 = arith.extui %lt3A_138 : i1 to i32
      %cond3A_140 = arith.constant 0 : i32
      %cond3A_141 = arith.cmpi ne, %convert_element_type3A_139, %cond3A_140 : i32
      scf.if %cond3A_141 {
        %ge3A = arith.constant 1 : i32
        %ge3A_295 = arith.cmpi sge, %add3A_101, %ge3A : i32
        %convert_element_type3A_296 = arith.extui %ge3A_295 : i1 to i32
        %cond3A_297 = arith.constant 0 : i32
        %cond3A_298 = arith.cmpi ne, %convert_element_type3A_296, %cond3A_297 : i32
        scf.if %cond3A_298 {
          %sub3A_315 = arith.constant 1 : i32
          %sub3A_316 = arith.subi %add3A_101, %sub3A_315 : i32
          %add3A_317 = arith.addi %mul3A_2, %sub3A_316 : i32
          %dma_wait3A_318 = arith.constant 3 : i32
          %dma_wait3A_319 = arith.constant 0 : i32
          %dma_wait3A_320 = arith.constant 0 : i32
          %dma_wait3A_321 = tpu.memref_slice %arg7[%add3A_317, %dma_wait3A_319, %dma_wait3A_320] : memref<4096x200x64xf32, #tpu.memory_space<hbm>> -> memref<1x200x64xf32, #tpu.memory_space<hbm>>
          %dma_wait3A_322 = tpu.memref_squeeze %dma_wait3A_321 : memref<1x200x64xf32, #tpu.memory_space<hbm>> -> memref<200x64xf32, #tpu.memory_space<hbm>>
          %dma_wait3A_323 = tpu.memref_slice %arg18[%dma_wait3A_318] : memref<4x!tpu.dma_semaphore, #tpu.memory_space<semaphore_mem>> -> memref<1x!tpu.dma_semaphore, #tpu.memory_space<semaphore_mem>>
          %dma_wait3A_324 = tpu.memref_squeeze %dma_wait3A_323 : memref<1x!tpu.dma_semaphore, #tpu.memory_space<semaphore_mem>> -> memref<!tpu.dma_semaphore, #tpu.memory_space<semaphore_mem>>
          %dma_wait3A_325 = arith.constant 0 : i32
          %dma_wait3A_326 = arith.constant 0 : i32
          %dma_wait3A_327 = tpu.memref_slice %arg7[%add3A_317, %dma_wait3A_325, %dma_wait3A_326] : memref<4096x200x64xf32, #tpu.memory_space<hbm>> -> memref<1x200x64xf32, #tpu.memory_space<hbm>>
          %dma_wait3A_328 = tpu.memref_squeeze %dma_wait3A_327 : memref<1x200x64xf32, #tpu.memory_space<hbm>> -> memref<200x64xf32, #tpu.memory_space<hbm>>
          tpu.wait_dma2 semaphore(%dma_wait3A_324 : memref<!tpu.dma_semaphore, #tpu.memory_space<semaphore_mem>>) src(%arg16 : memref<200x64xf32, #tpu.memory_space<vmem>>) dst(%dma_wait3A_328 : memref<200x64xf32, #tpu.memory_space<hbm>>)
        } else {
        }
        %add3A_299 = arith.constant 4 : i32
        %add3A_300 = arith.addi %add3A_101, %add3A_299 : i32
        %sub3A_301 = arith.constant 1 : i32
        %sub3A_302 = arith.subi %add3A_300, %sub3A_301 : i32
        %add3A_303 = arith.addi %mul3A_2, %sub3A_302 : i32
        %dma_start3A_304 = arith.constant 3 : i32
        %dma_start3A_305 = arith.constant 0 : i32
        %dma_start3A_306 = arith.constant 0 : i32
        %dma_start3A_307 = tpu.memref_slice %arg6[%add3A_303, %dma_start3A_305, %dma_start3A_306] : memref<4096x200x64xf32, #tpu.memory_space<hbm>> -> memref<1x200x64xf32, #tpu.memory_space<hbm>>
        %dma_start3A_308 = tpu.memref_squeeze %dma_start3A_307 : memref<1x200x64xf32, #tpu.memory_space<hbm>> -> memref<200x64xf32, #tpu.memory_space<hbm>>
        %dma_start3A_309 = tpu.memref_slice %arg17[%dma_start3A_304] : memref<4x!tpu.dma_semaphore, #tpu.memory_space<semaphore_mem>> -> memref<1x!tpu.dma_semaphore, #tpu.memory_space<semaphore_mem>>
        %dma_start3A_310 = tpu.memref_squeeze %dma_start3A_309 : memref<1x!tpu.dma_semaphore, #tpu.memory_space<semaphore_mem>> -> memref<!tpu.dma_semaphore, #tpu.memory_space<semaphore_mem>>
        %dma_start3A_311 = arith.constant 0 : i32
        %dma_start3A_312 = arith.constant 0 : i32
        %dma_start3A_313 = tpu.memref_slice %arg6[%add3A_303, %dma_start3A_311, %dma_start3A_312] : memref<4096x200x64xf32, #tpu.memory_space<hbm>> -> memref<1x200x64xf32, #tpu.memory_space<hbm>>
        %dma_start3A_314 = tpu.memref_squeeze %dma_start3A_313 : memref<1x200x64xf32, #tpu.memory_space<hbm>> -> memref<200x64xf32, #tpu.memory_space<hbm>>
        tpu.enqueue_dma source(%dma_start3A_314 : memref<200x64xf32, #tpu.memory_space<hbm>>) target(%arg16 : memref<200x64xf32, #tpu.memory_space<vmem>>) target_semaphore(%dma_start3A_310 : memref<!tpu.dma_semaphore, #tpu.memory_space<semaphore_mem>>)
      } else {
      }
      %mul3A_142 = arith.constant 4 : i32
      %mul3A_143 = arith.muli %scan3A_97, %mul3A_142 : i32
      %add3A_144 = arith.constant 1 : i32
      %add3A_145 = arith.addi %mul3A_143, %add3A_144 : i32
      %rem3A_146 = arith.constant 2 : i32
      %rem3A_147 = arith.remsi %add3A_145, %rem3A_146 : i32
      %eq3A_148 = arith.constant 0 : i32
      %eq3A_149 = arith.cmpi eq, %rem3A_147, %eq3A_148 : i32
      %convert_element_type3A_150 = arith.extui %eq3A_149 : i1 to i32
      %cond3A_151 = arith.constant 0 : i32
      %cond3A_152 = arith.cmpi ne, %convert_element_type3A_150, %cond3A_151 : i32
      scf.if %cond3A_152 {
        %add3A_295 = arith.addi %mul3A_2, %add3A_145 : i32
        %mul3A_296 = arith.constant 200 : i32
        %mul3A_297 = arith.muli %add3A_295, %mul3A_296 : i32
        "tpu.region"() ({
          %run_scoped3A = tpu.sem_alloc : memref<!tpu.dma_semaphore, #tpu.memory_space<semaphore_mem>>
          %dma_start3A_301 = tpu.memref_slice %arg4[%mul3A_297] : memref<819200xf32, #tpu.memory_space<hbm>> -> memref<400xf32, #tpu.memory_space<hbm>>
          %dma_start3A_302 = tpu.memref_slice %arg4[%mul3A_297] : memref<819200xf32, #tpu.memory_space<hbm>> -> memref<400xf32, #tpu.memory_space<hbm>>
          tpu.enqueue_dma source(%dma_start3A_302 : memref<400xf32, #tpu.memory_space<hbm>>) target(%arg10 : memref<400xf32, #tpu.memory_space<vmem>>) target_semaphore(%run_scoped3A : memref<!tpu.dma_semaphore, #tpu.memory_space<semaphore_mem>>)
          %dma_wait3A_303 = tpu.memref_slice %arg4[%mul3A_297] : memref<819200xf32, #tpu.memory_space<hbm>> -> memref<400xf32, #tpu.memory_space<hbm>>
          %dma_wait3A_304 = tpu.memref_slice %arg4[%mul3A_297] : memref<819200xf32, #tpu.memory_space<hbm>> -> memref<400xf32, #tpu.memory_space<hbm>>
          tpu.wait_dma2 semaphore(%run_scoped3A : memref<!tpu.dma_semaphore, #tpu.memory_space<semaphore_mem>>) src(%dma_wait3A_304 : memref<400xf32, #tpu.memory_space<hbm>>) dst(%arg10 : memref<400xf32, #tpu.memory_space<vmem>>)
          tpu.yield
        }) : () -> ()
        "tpu.region"() ({
          %run_scoped3A = tpu.sem_alloc : memref<!tpu.dma_semaphore, #tpu.memory_space<semaphore_mem>>
          %dma_start3A_301 = tpu.memref_slice %arg5[%mul3A_297] : memref<819200xi32, #tpu.memory_space<hbm>> -> memref<400xi32, #tpu.memory_space<hbm>>
          %dma_start3A_302 = tpu.memref_slice %arg5[%mul3A_297] : memref<819200xi32, #tpu.memory_space<hbm>> -> memref<400xi32, #tpu.memory_space<hbm>>
          tpu.enqueue_dma source(%dma_start3A_302 : memref<400xi32, #tpu.memory_space<hbm>>) target(%arg11 : memref<400xi32, #tpu.memory_space<vmem>>) target_semaphore(%run_scoped3A : memref<!tpu.dma_semaphore, #tpu.memory_space<semaphore_mem>>)
          %dma_wait3A_303 = tpu.memref_slice %arg5[%mul3A_297] : memref<819200xi32, #tpu.memory_space<hbm>> -> memref<400xi32, #tpu.memory_space<hbm>>
          %dma_wait3A_304 = tpu.memref_slice %arg5[%mul3A_297] : memref<819200xi32, #tpu.memory_space<hbm>> -> memref<400xi32, #tpu.memory_space<hbm>>
          tpu.wait_dma2 semaphore(%run_scoped3A : memref<!tpu.dma_semaphore, #tpu.memory_space<semaphore_mem>>) src(%dma_wait3A_304 : memref<400xi32, #tpu.memory_space<hbm>>) dst(%arg11 : memref<400xi32, #tpu.memory_space<vmem>>)
          tpu.yield
        }) : () -> ()
        %parallel_loop3A_298 = arith.constant 0 : i32
        %parallel_loop3A_299 = arith.constant 25 : i32
        %parallel_loop3A_300 = arith.constant 1 : i32
        scf.for %parallel_loop3A_301 = %parallel_loop3A_298 to %parallel_loop3A_299 step %parallel_loop3A_300  : i32 {
          %parallel_loop3A_302 = arith.constant 16 : i32
          %parallel_loop3A_303 = arith.muli %parallel_loop3A_301, %parallel_loop3A_302 : i32
          %parallel_loop3A_304 = arith.index_cast %parallel_loop3A_303 : i32 to index
          %parallel_loop3A_305 = tpu.vector_load %arg10[%parallel_loop3A_304] {strides = array<i32>} : memref<400xf32, #tpu.memory_space<vmem>>, vector<16xf32>,
          %parallel_loop3A_306 = arith.constant 16 : i32
          %parallel_loop3A_307 = arith.muli %parallel_loop3A_301, %parallel_loop3A_306 : i32
          %parallel_loop3A_308 = arith.index_cast %parallel_loop3A_307 : i32 to index
          %parallel_loop3A_309 = tpu.vector_load %arg11[%parallel_loop3A_308] {strides = array<i32>} : memref<400xi32, #tpu.memory_space<vmem>>, vector<16xi32>,
          %parallel_loop3A_310 = tpu.vector_load_idx %arg9[%parallel_loop3A_309] : memref<32xf32, #tpu.memory_space<vmem>>[vector<16xi32>], vector<16xf32>,
          %parallel_loop3A_311 = arith.constant 0 : index
          %parallel_loop3A_312 = tpu.vector_load %arg8[%parallel_loop3A_311] {strides = array<i32>} : memref<16xf32, #tpu.memory_space<vmem>>, vector<16xf32>,
          %parallel_loop3A_313 = arith.constant 0.000000e+00 : f32
          %parallel_loop3A_314 = vector.broadcast %parallel_loop3A_313 : f32 to vector<16xf32>
          %parallel_loop3A_315 = arith.subf %parallel_loop3A_314, %parallel_loop3A_312 : vector<16xf32>
          %parallel_loop3A_316 = arith.mulf %parallel_loop3A_305, %parallel_loop3A_315 : vector<16xf32>
          %parallel_loop3A_317 = math.exp %parallel_loop3A_316 : vector<16xf32>
          %parallel_loop3A_318 = arith.mulf %parallel_loop3A_317, %parallel_loop3A_310 : vector<16xf32>
          %parallel_loop3A_319 = arith.constant 16 : i32
          %parallel_loop3A_320 = arith.muli %parallel_loop3A_301, %parallel_loop3A_319 : i32
          %parallel_loop3A_321 = arith.index_cast %parallel_loop3A_320 : i32 to index
          %parallel_loop3A_322 = tpu.vector_load %arg12[%parallel_loop3A_321] {strides = array<i32>} : memref<400xf32, #tpu.memory_space<vmem>>, vector<16xf32>,
          tpu.vector_store %arg12[%parallel_loop3A_321], %parallel_loop3A_318 {strides = array<i32>} : memref<400xf32, #tpu.memory_space<vmem>>, vector<16xf32>,
        } {sc.loop_unroll_factor = 5 : i64, sc.parallel_access}
      } else {
      }
      %add3A_153 = arith.addi %mul3A_2, %add3A_145 : i32
      %dma_wait3A_154 = arith.constant 1 : i32
      %dma_wait3A_155 = arith.constant 0 : i32
      %dma_wait3A_156 = arith.constant 0 : i32
      %dma_wait3A_157 = tpu.memref_slice %arg6[%add3A_153, %dma_wait3A_155, %dma_wait3A_156] : memref<4096x200x64xf32, #tpu.memory_space<hbm>> -> memref<1x200x64xf32, #tpu.memory_space<hbm>>
      %dma_wait3A_158 = tpu.memref_squeeze %dma_wait3A_157 : memref<1x200x64xf32, #tpu.memory_space<hbm>> -> memref<200x64xf32, #tpu.memory_space<hbm>>
      %dma_wait3A_159 = tpu.memref_slice %arg17[%dma_wait3A_154] : memref<4x!tpu.dma_semaphore, #tpu.memory_space<semaphore_mem>> -> memref<1x!tpu.dma_semaphore, #tpu.memory_space<semaphore_mem>>
      %dma_wait3A_160 = tpu.memref_squeeze %dma_wait3A_159 : memref<1x!tpu.dma_semaphore, #tpu.memory_space<semaphore_mem>> -> memref<!tpu.dma_semaphore, #tpu.memory_space<semaphore_mem>>
      %dma_wait3A_161 = arith.constant 0 : i32
      %dma_wait3A_162 = arith.constant 0 : i32
      %dma_wait3A_163 = tpu.memref_slice %arg6[%add3A_153, %dma_wait3A_161, %dma_wait3A_162] : memref<4096x200x64xf32, #tpu.memory_space<hbm>> -> memref<1x200x64xf32, #tpu.memory_space<hbm>>
      %dma_wait3A_164 = tpu.memref_squeeze %dma_wait3A_163 : memref<1x200x64xf32, #tpu.memory_space<hbm>> -> memref<200x64xf32, #tpu.memory_space<hbm>>
      tpu.wait_dma2 semaphore(%dma_wait3A_160 : memref<!tpu.dma_semaphore, #tpu.memory_space<semaphore_mem>>) src(%dma_wait3A_164 : memref<200x64xf32, #tpu.memory_space<hbm>>) dst(%arg14 : memref<200x64xf32, #tpu.memory_space<vmem>>)
      %rem3A_165 = arith.constant 2 : i32
      %rem3A_166 = arith.remsi %add3A_145, %rem3A_165 : i32
      %mul3A_167 = arith.constant 200 : i32
      %mul3A_168 = arith.muli %rem3A_166, %mul3A_167 : i32
      %parallel_loop3A_169 = arith.constant 0 : i32
      %parallel_loop3A_170 = arith.constant 200 : i32
      %parallel_loop3A_171 = arith.constant 1 : i32
      scf.for %parallel_loop3A_295 = %parallel_loop3A_169 to %parallel_loop3A_170 step %parallel_loop3A_171  : i32 {
        %parallel_loop3A_296 = arith.addi %mul3A_168, %parallel_loop3A_295 : i32
        %parallel_loop3A_297 = vector.broadcast %parallel_loop3A_296 : i32 to vector<16xi32>
        %parallel_loop3A_298 = tpu.vector_load_idx %arg12[%parallel_loop3A_297] : memref<400xf32, #tpu.memory_space<vmem>>[vector<16xi32>], vector<16xf32>,
        %parallel_loop3A_299 = arith.index_cast %parallel_loop3A_295 : i32 to index
        %parallel_loop3A_300 = arith.constant 0 : index
        %parallel_loop3A_301 = tpu.vector_load %arg14[%parallel_loop3A_299, %parallel_loop3A_300] {strides = array<i32>} : memref<200x64xf32, #tpu.memory_space<vmem>>, vector<16xf32>,
        %parallel_loop3A_302 = arith.mulf %parallel_loop3A_301, %parallel_loop3A_298 : vector<16xf32>
        %parallel_loop3A_303 = arith.index_cast %parallel_loop3A_295 : i32 to index
        %parallel_loop3A_304 = arith.constant 0 : index
        %parallel_loop3A_305 = tpu.vector_load %arg14[%parallel_loop3A_303, %parallel_loop3A_304] {strides = array<i32>} : memref<200x64xf32, #tpu.memory_space<vmem>>, vector<16xf32>,
        tpu.vector_store %arg14[%parallel_loop3A_303, %parallel_loop3A_304], %parallel_loop3A_302 {strides = array<i32>} : memref<200x64xf32, #tpu.memory_space<vmem>>, vector<16xf32>,
        %parallel_loop3A_306 = arith.index_cast %parallel_loop3A_295 : i32 to index
        %parallel_loop3A_307 = arith.constant 16 : index
        %parallel_loop3A_308 = tpu.vector_load %arg14[%parallel_loop3A_306, %parallel_loop3A_307] {strides = array<i32>} : memref<200x64xf32, #tpu.memory_space<vmem>>, vector<16xf32>,
        %parallel_loop3A_309 = arith.mulf %parallel_loop3A_308, %parallel_loop3A_298 : vector<16xf32>
        %parallel_loop3A_310 = arith.index_cast %parallel_loop3A_295 : i32 to index
        %parallel_loop3A_311 = arith.constant 16 : index
        %parallel_loop3A_312 = tpu.vector_load %arg14[%parallel_loop3A_310, %parallel_loop3A_311] {strides = array<i32>} : memref<200x64xf32, #tpu.memory_space<vmem>>, vector<16xf32>,
        tpu.vector_store %arg14[%parallel_loop3A_310, %parallel_loop3A_311], %parallel_loop3A_309 {strides = array<i32>} : memref<200x64xf32, #tpu.memory_space<vmem>>, vector<16xf32>,
        %parallel_loop3A_313 = arith.index_cast %parallel_loop3A_295 : i32 to index
        %parallel_loop3A_314 = arith.constant 32 : index
        %parallel_loop3A_315 = tpu.vector_load %arg14[%parallel_loop3A_313, %parallel_loop3A_314] {strides = array<i32>} : memref<200x64xf32, #tpu.memory_space<vmem>>, vector<16xf32>,
        %parallel_loop3A_316 = arith.mulf %parallel_loop3A_315, %parallel_loop3A_298 : vector<16xf32>
        %parallel_loop3A_317 = arith.index_cast %parallel_loop3A_295 : i32 to index
        %parallel_loop3A_318 = arith.constant 32 : index
        %parallel_loop3A_319 = tpu.vector_load %arg14[%parallel_loop3A_317, %parallel_loop3A_318] {strides = array<i32>} : memref<200x64xf32, #tpu.memory_space<vmem>>, vector<16xf32>,
        tpu.vector_store %arg14[%parallel_loop3A_317, %parallel_loop3A_318], %parallel_loop3A_316 {strides = array<i32>} : memref<200x64xf32, #tpu.memory_space<vmem>>, vector<16xf32>,
        %parallel_loop3A_320 = arith.index_cast %parallel_loop3A_295 : i32 to index
        %parallel_loop3A_321 = arith.constant 48 : index
        %parallel_loop3A_322 = tpu.vector_load %arg14[%parallel_loop3A_320, %parallel_loop3A_321] {strides = array<i32>} : memref<200x64xf32, #tpu.memory_space<vmem>>, vector<16xf32>,
        %parallel_loop3A_323 = arith.mulf %parallel_loop3A_322, %parallel_loop3A_298 : vector<16xf32>
        %parallel_loop3A_324 = arith.index_cast %parallel_loop3A_295 : i32 to index
        %parallel_loop3A_325 = arith.constant 48 : index
        %parallel_loop3A_326 = tpu.vector_load %arg14[%parallel_loop3A_324, %parallel_loop3A_325] {strides = array<i32>} : memref<200x64xf32, #tpu.memory_space<vmem>>, vector<16xf32>,
        tpu.vector_store %arg14[%parallel_loop3A_324, %parallel_loop3A_325], %parallel_loop3A_323 {strides = array<i32>} : memref<200x64xf32, #tpu.memory_space<vmem>>, vector<16xf32>,
      } {sc.loop_unroll_factor = 8 : i64, sc.parallel_access}
      %add3A_172 = arith.addi %mul3A_2, %add3A_145 : i32
      %dma_start3A_173 = arith.constant 1 : i32
      %dma_start3A_174 = arith.constant 0 : i32
      %dma_start3A_175 = arith.constant 0 : i32
      %dma_start3A_176 = tpu.memref_slice %arg7[%add3A_172, %dma_start3A_174, %dma_start3A_175] : memref<4096x200x64xf32, #tpu.memory_space<hbm>> -> memref<1x200x64xf32, #tpu.memory_space<hbm>>
      %dma_start3A_177 = tpu.memref_squeeze %dma_start3A_176 : memref<1x200x64xf32, #tpu.memory_space<hbm>> -> memref<200x64xf32, #tpu.memory_space<hbm>>
      %dma_start3A_178 = tpu.memref_slice %arg18[%dma_start3A_173] : memref<4x!tpu.dma_semaphore, #tpu.memory_space<semaphore_mem>> -> memref<1x!tpu.dma_semaphore, #tpu.memory_space<semaphore_mem>>
      %dma_start3A_179 = tpu.memref_squeeze %dma_start3A_178 : memref<1x!tpu.dma_semaphore, #tpu.memory_space<semaphore_mem>> -> memref<!tpu.dma_semaphore, #tpu.memory_space<semaphore_mem>>
      %dma_start3A_180 = arith.constant 0 : i32
      %dma_start3A_181 = arith.constant 0 : i32
      %dma_start3A_182 = tpu.memref_slice %arg7[%add3A_172, %dma_start3A_180, %dma_start3A_181] : memref<4096x200x64xf32, #tpu.memory_space<hbm>> -> memref<1x200x64xf32, #tpu.memory_space<hbm>>
      %dma_start3A_183 = tpu.memref_squeeze %dma_start3A_182 : memref<1x200x64xf32, #tpu.memory_space<hbm>> -> memref<200x64xf32, #tpu.memory_space<hbm>>
      tpu.enqueue_dma source(%arg14 : memref<200x64xf32, #tpu.memory_space<vmem>>) target(%dma_start3A_183 : memref<200x64xf32, #tpu.memory_space<hbm>>) target_semaphore(%dma_start3A_179 : memref<!tpu.dma_semaphore, #tpu.memory_space<semaphore_mem>>)
      %add3A_184 = arith.constant 4 : i32
      %add3A_185 = arith.addi %add3A_145, %add3A_184 : i32
      %sub3A_186 = arith.constant 1 : i32
      %sub3A_187 = arith.subi %add3A_185, %sub3A_186 : i32
      %lt3A_188 = arith.constant 128 : i32
      %lt3A_189 = arith.cmpi slt, %sub3A_187, %lt3A_188 : i32
      %convert_element_type3A_190 = arith.extui %lt3A_189 : i1 to i32
      %cond3A_191 = arith.constant 0 : i32
      %cond3A_192 = arith.cmpi ne, %convert_element_type3A_190, %cond3A_191 : i32
      scf.if %cond3A_192 {
        %ge3A = arith.constant 1 : i32
        %ge3A_295 = arith.cmpi sge, %add3A_145, %ge3A : i32
        %convert_element_type3A_296 = arith.extui %ge3A_295 : i1 to i32
        %cond3A_297 = arith.constant 0 : i32
        %cond3A_298 = arith.cmpi ne, %convert_element_type3A_296, %cond3A_297 : i32
        scf.if %cond3A_298 {
          %sub3A_315 = arith.constant 1 : i32
          %sub3A_316 = arith.subi %add3A_145, %sub3A_315 : i32
          %add3A_317 = arith.addi %mul3A_2, %sub3A_316 : i32
          %dma_wait3A_318 = arith.constant 0 : i32
          %dma_wait3A_319 = arith.constant 0 : i32
          %dma_wait3A_320 = arith.constant 0 : i32
          %dma_wait3A_321 = tpu.memref_slice %arg7[%add3A_317, %dma_wait3A_319, %dma_wait3A_320] : memref<4096x200x64xf32, #tpu.memory_space<hbm>> -> memref<1x200x64xf32, #tpu.memory_space<hbm>>
          %dma_wait3A_322 = tpu.memref_squeeze %dma_wait3A_321 : memref<1x200x64xf32, #tpu.memory_space<hbm>> -> memref<200x64xf32, #tpu.memory_space<hbm>>
          %dma_wait3A_323 = tpu.memref_slice %arg18[%dma_wait3A_318] : memref<4x!tpu.dma_semaphore, #tpu.memory_space<semaphore_mem>> -> memref<1x!tpu.dma_semaphore, #tpu.memory_space<semaphore_mem>>
          %dma_wait3A_324 = tpu.memref_squeeze %dma_wait3A_323 : memref<1x!tpu.dma_semaphore, #tpu.memory_space<semaphore_mem>> -> memref<!tpu.dma_semaphore, #tpu.memory_space<semaphore_mem>>
          %dma_wait3A_325 = arith.constant 0 : i32
          %dma_wait3A_326 = arith.constant 0 : i32
          %dma_wait3A_327 = tpu.memref_slice %arg7[%add3A_317, %dma_wait3A_325, %dma_wait3A_326] : memref<4096x200x64xf32, #tpu.memory_space<hbm>> -> memref<1x200x64xf32, #tpu.memory_space<hbm>>
          %dma_wait3A_328 = tpu.memref_squeeze %dma_wait3A_327 : memref<1x200x64xf32, #tpu.memory_space<hbm>> -> memref<200x64xf32, #tpu.memory_space<hbm>>
          tpu.wait_dma2 semaphore(%dma_wait3A_324 : memref<!tpu.dma_semaphore, #tpu.memory_space<semaphore_mem>>) src(%arg13 : memref<200x64xf32, #tpu.memory_space<vmem>>) dst(%dma_wait3A_328 : memref<200x64xf32, #tpu.memory_space<hbm>>)
        } else {
        }
        %add3A_299 = arith.constant 4 : i32
        %add3A_300 = arith.addi %add3A_145, %add3A_299 : i32
        %sub3A_301 = arith.constant 1 : i32
        %sub3A_302 = arith.subi %add3A_300, %sub3A_301 : i32
        %add3A_303 = arith.addi %mul3A_2, %sub3A_302 : i32
        %dma_start3A_304 = arith.constant 0 : i32
        %dma_start3A_305 = arith.constant 0 : i32
        %dma_start3A_306 = arith.constant 0 : i32
        %dma_start3A_307 = tpu.memref_slice %arg6[%add3A_303, %dma_start3A_305, %dma_start3A_306] : memref<4096x200x64xf32, #tpu.memory_space<hbm>> -> memref<1x200x64xf32, #tpu.memory_space<hbm>>
        %dma_start3A_308 = tpu.memref_squeeze %dma_start3A_307 : memref<1x200x64xf32, #tpu.memory_space<hbm>> -> memref<200x64xf32, #tpu.memory_space<hbm>>
        %dma_start3A_309 = tpu.memref_slice %arg17[%dma_start3A_304] : memref<4x!tpu.dma_semaphore, #tpu.memory_space<semaphore_mem>> -> memref<1x!tpu.dma_semaphore, #tpu.memory_space<semaphore_mem>>
        %dma_start3A_310 = tpu.memref_squeeze %dma_start3A_309 : memref<1x!tpu.dma_semaphore, #tpu.memory_space<semaphore_mem>> -> memref<!tpu.dma_semaphore, #tpu.memory_space<semaphore_mem>>
        %dma_start3A_311 = arith.constant 0 : i32
        %dma_start3A_312 = arith.constant 0 : i32
        %dma_start3A_313 = tpu.memref_slice %arg6[%add3A_303, %dma_start3A_311, %dma_start3A_312] : memref<4096x200x64xf32, #tpu.memory_space<hbm>> -> memref<1x200x64xf32, #tpu.memory_space<hbm>>
        %dma_start3A_314 = tpu.memref_squeeze %dma_start3A_313 : memref<1x200x64xf32, #tpu.memory_space<hbm>> -> memref<200x64xf32, #tpu.memory_space<hbm>>
        tpu.enqueue_dma source(%dma_start3A_314 : memref<200x64xf32, #tpu.memory_space<hbm>>) target(%arg13 : memref<200x64xf32, #tpu.memory_space<vmem>>) target_semaphore(%dma_start3A_310 : memref<!tpu.dma_semaphore, #tpu.memory_space<semaphore_mem>>)
      } else {
      }
      %mul3A_193 = arith.constant 4 : i32
      %mul3A_194 = arith.muli %scan3A_97, %mul3A_193 : i32
      %add3A_195 = arith.constant 2 : i32
      %add3A_196 = arith.addi %mul3A_194, %add3A_195 : i32
      %rem3A_197 = arith.constant 2 : i32
      %rem3A_198 = arith.remsi %add3A_196, %rem3A_197 : i32
      %eq3A_199 = arith.constant 0 : i32
      %eq3A_200 = arith.cmpi eq, %rem3A_198, %eq3A_199 : i32
      %convert_element_type3A_201 = arith.extui %eq3A_200 : i1 to i32
      %cond3A_202 = arith.constant 0 : i32
      %cond3A_203 = arith.cmpi ne, %convert_element_type3A_201, %cond3A_202 : i32
      scf.if %cond3A_203 {
        %add3A_295 = arith.addi %mul3A_2, %add3A_196 : i32
        %mul3A_296 = arith.constant 200 : i32
        %mul3A_297 = arith.muli %add3A_295, %mul3A_296 : i32
        "tpu.region"() ({
          %run_scoped3A = tpu.sem_alloc : memref<!tpu.dma_semaphore, #tpu.memory_space<semaphore_mem>>
          %dma_start3A_301 = tpu.memref_slice %arg4[%mul3A_297] : memref<819200xf32, #tpu.memory_space<hbm>> -> memref<400xf32, #tpu.memory_space<hbm>>
          %dma_start3A_302 = tpu.memref_slice %arg4[%mul3A_297] : memref<819200xf32, #tpu.memory_space<hbm>> -> memref<400xf32, #tpu.memory_space<hbm>>
          tpu.enqueue_dma source(%dma_start3A_302 : memref<400xf32, #tpu.memory_space<hbm>>) target(%arg10 : memref<400xf32, #tpu.memory_space<vmem>>) target_semaphore(%run_scoped3A : memref<!tpu.dma_semaphore, #tpu.memory_space<semaphore_mem>>)
          %dma_wait3A_303 = tpu.memref_slice %arg4[%mul3A_297] : memref<819200xf32, #tpu.memory_space<hbm>> -> memref<400xf32, #tpu.memory_space<hbm>>
          %dma_wait3A_304 = tpu.memref_slice %arg4[%mul3A_297] : memref<819200xf32, #tpu.memory_space<hbm>> -> memref<400xf32, #tpu.memory_space<hbm>>
          tpu.wait_dma2 semaphore(%run_scoped3A : memref<!tpu.dma_semaphore, #tpu.memory_space<semaphore_mem>>) src(%dma_wait3A_304 : memref<400xf32, #tpu.memory_space<hbm>>) dst(%arg10 : memref<400xf32, #tpu.memory_space<vmem>>)
          tpu.yield
        }) : () -> ()
        "tpu.region"() ({
          %run_scoped3A = tpu.sem_alloc : memref<!tpu.dma_semaphore, #tpu.memory_space<semaphore_mem>>
          %dma_start3A_301 = tpu.memref_slice %arg5[%mul3A_297] : memref<819200xi32, #tpu.memory_space<hbm>> -> memref<400xi32, #tpu.memory_space<hbm>>
          %dma_start3A_302 = tpu.memref_slice %arg5[%mul3A_297] : memref<819200xi32, #tpu.memory_space<hbm>> -> memref<400xi32, #tpu.memory_space<hbm>>
          tpu.enqueue_dma source(%dma_start3A_302 : memref<400xi32, #tpu.memory_space<hbm>>) target(%arg11 : memref<400xi32, #tpu.memory_space<vmem>>) target_semaphore(%run_scoped3A : memref<!tpu.dma_semaphore, #tpu.memory_space<semaphore_mem>>)
          %dma_wait3A_303 = tpu.memref_slice %arg5[%mul3A_297] : memref<819200xi32, #tpu.memory_space<hbm>> -> memref<400xi32, #tpu.memory_space<hbm>>
          %dma_wait3A_304 = tpu.memref_slice %arg5[%mul3A_297] : memref<819200xi32, #tpu.memory_space<hbm>> -> memref<400xi32, #tpu.memory_space<hbm>>
          tpu.wait_dma2 semaphore(%run_scoped3A : memref<!tpu.dma_semaphore, #tpu.memory_space<semaphore_mem>>) src(%dma_wait3A_304 : memref<400xi32, #tpu.memory_space<hbm>>) dst(%arg11 : memref<400xi32, #tpu.memory_space<vmem>>)
          tpu.yield
        }) : () -> ()
        %parallel_loop3A_298 = arith.constant 0 : i32
        %parallel_loop3A_299 = arith.constant 25 : i32
        %parallel_loop3A_300 = arith.constant 1 : i32
        scf.for %parallel_loop3A_301 = %parallel_loop3A_298 to %parallel_loop3A_299 step %parallel_loop3A_300  : i32 {
          %parallel_loop3A_302 = arith.constant 16 : i32
          %parallel_loop3A_303 = arith.muli %parallel_loop3A_301, %parallel_loop3A_302 : i32
          %parallel_loop3A_304 = arith.index_cast %parallel_loop3A_303 : i32 to index
          %parallel_loop3A_305 = tpu.vector_load %arg10[%parallel_loop3A_304] {strides = array<i32>} : memref<400xf32, #tpu.memory_space<vmem>>, vector<16xf32>,
          %parallel_loop3A_306 = arith.constant 16 : i32
          %parallel_loop3A_307 = arith.muli %parallel_loop3A_301, %parallel_loop3A_306 : i32
          %parallel_loop3A_308 = arith.index_cast %parallel_loop3A_307 : i32 to index
          %parallel_loop3A_309 = tpu.vector_load %arg11[%parallel_loop3A_308] {strides = array<i32>} : memref<400xi32, #tpu.memory_space<vmem>>, vector<16xi32>,
          %parallel_loop3A_310 = tpu.vector_load_idx %arg9[%parallel_loop3A_309] : memref<32xf32, #tpu.memory_space<vmem>>[vector<16xi32>], vector<16xf32>,
          %parallel_loop3A_311 = arith.constant 0 : index
          %parallel_loop3A_312 = tpu.vector_load %arg8[%parallel_loop3A_311] {strides = array<i32>} : memref<16xf32, #tpu.memory_space<vmem>>, vector<16xf32>,
          %parallel_loop3A_313 = arith.constant 0.000000e+00 : f32
          %parallel_loop3A_314 = vector.broadcast %parallel_loop3A_313 : f32 to vector<16xf32>
          %parallel_loop3A_315 = arith.subf %parallel_loop3A_314, %parallel_loop3A_312 : vector<16xf32>
          %parallel_loop3A_316 = arith.mulf %parallel_loop3A_305, %parallel_loop3A_315 : vector<16xf32>
          %parallel_loop3A_317 = math.exp %parallel_loop3A_316 : vector<16xf32>
          %parallel_loop3A_318 = arith.mulf %parallel_loop3A_317, %parallel_loop3A_310 : vector<16xf32>
          %parallel_loop3A_319 = arith.constant 16 : i32
          %parallel_loop3A_320 = arith.muli %parallel_loop3A_301, %parallel_loop3A_319 : i32
          %parallel_loop3A_321 = arith.index_cast %parallel_loop3A_320 : i32 to index
          %parallel_loop3A_322 = tpu.vector_load %arg12[%parallel_loop3A_321] {strides = array<i32>} : memref<400xf32, #tpu.memory_space<vmem>>, vector<16xf32>,
          tpu.vector_store %arg12[%parallel_loop3A_321], %parallel_loop3A_318 {strides = array<i32>} : memref<400xf32, #tpu.memory_space<vmem>>, vector<16xf32>,
        } {sc.loop_unroll_factor = 5 : i64, sc.parallel_access}
      } else {
      }
      %add3A_204 = arith.addi %mul3A_2, %add3A_196 : i32
      %dma_wait3A_205 = arith.constant 2 : i32
      %dma_wait3A_206 = arith.constant 0 : i32
      %dma_wait3A_207 = arith.constant 0 : i32
      %dma_wait3A_208 = tpu.memref_slice %arg6[%add3A_204, %dma_wait3A_206, %dma_wait3A_207] : memref<4096x200x64xf32, #tpu.memory_space<hbm>> -> memref<1x200x64xf32, #tpu.memory_space<hbm>>
      %dma_wait3A_209 = tpu.memref_squeeze %dma_wait3A_208 : memref<1x200x64xf32, #tpu.memory_space<hbm>> -> memref<200x64xf32, #tpu.memory_space<hbm>>
      %dma_wait3A_210 = tpu.memref_slice %arg17[%dma_wait3A_205] : memref<4x!tpu.dma_semaphore, #tpu.memory_space<semaphore_mem>> -> memref<1x!tpu.dma_semaphore, #tpu.memory_space<semaphore_mem>>
      %dma_wait3A_211 = tpu.memref_squeeze %dma_wait3A_210 : memref<1x!tpu.dma_semaphore, #tpu.memory_space<semaphore_mem>> -> memref<!tpu.dma_semaphore, #tpu.memory_space<semaphore_mem>>
      %dma_wait3A_212 = arith.constant 0 : i32
      %dma_wait3A_213 = arith.constant 0 : i32
      %dma_wait3A_214 = tpu.memref_slice %arg6[%add3A_204, %dma_wait3A_212, %dma_wait3A_213] : memref<4096x200x64xf32, #tpu.memory_space<hbm>> -> memref<1x200x64xf32, #tpu.memory_space<hbm>>
      %dma_wait3A_215 = tpu.memref_squeeze %dma_wait3A_214 : memref<1x200x64xf32, #tpu.memory_space<hbm>> -> memref<200x64xf32, #tpu.memory_space<hbm>>
      tpu.wait_dma2 semaphore(%dma_wait3A_211 : memref<!tpu.dma_semaphore, #tpu.memory_space<semaphore_mem>>) src(%dma_wait3A_215 : memref<200x64xf32, #tpu.memory_space<hbm>>) dst(%arg15 : memref<200x64xf32, #tpu.memory_space<vmem>>)
      %rem3A_216 = arith.constant 2 : i32
      %rem3A_217 = arith.remsi %add3A_196, %rem3A_216 : i32
      %mul3A_218 = arith.constant 200 : i32
      %mul3A_219 = arith.muli %rem3A_217, %mul3A_218 : i32
      %parallel_loop3A_220 = arith.constant 0 : i32
      %parallel_loop3A_221 = arith.constant 200 : i32
      %parallel_loop3A_222 = arith.constant 1 : i32
      scf.for %parallel_loop3A_295 = %parallel_loop3A_220 to %parallel_loop3A_221 step %parallel_loop3A_222  : i32 {
        %parallel_loop3A_296 = arith.addi %mul3A_219, %parallel_loop3A_295 : i32
        %parallel_loop3A_297 = vector.broadcast %parallel_loop3A_296 : i32 to vector<16xi32>
        %parallel_loop3A_298 = tpu.vector_load_idx %arg12[%parallel_loop3A_297] : memref<400xf32, #tpu.memory_space<vmem>>[vector<16xi32>], vector<16xf32>,
        %parallel_loop3A_299 = arith.index_cast %parallel_loop3A_295 : i32 to index
        %parallel_loop3A_300 = arith.constant 0 : index
        %parallel_loop3A_301 = tpu.vector_load %arg15[%parallel_loop3A_299, %parallel_loop3A_300] {strides = array<i32>} : memref<200x64xf32, #tpu.memory_space<vmem>>, vector<16xf32>,
        %parallel_loop3A_302 = arith.mulf %parallel_loop3A_301, %parallel_loop3A_298 : vector<16xf32>
        %parallel_loop3A_303 = arith.index_cast %parallel_loop3A_295 : i32 to index
        %parallel_loop3A_304 = arith.constant 0 : index
        %parallel_loop3A_305 = tpu.vector_load %arg15[%parallel_loop3A_303, %parallel_loop3A_304] {strides = array<i32>} : memref<200x64xf32, #tpu.memory_space<vmem>>, vector<16xf32>,
        tpu.vector_store %arg15[%parallel_loop3A_303, %parallel_loop3A_304], %parallel_loop3A_302 {strides = array<i32>} : memref<200x64xf32, #tpu.memory_space<vmem>>, vector<16xf32>,
        %parallel_loop3A_306 = arith.index_cast %parallel_loop3A_295 : i32 to index
        %parallel_loop3A_307 = arith.constant 16 : index
        %parallel_loop3A_308 = tpu.vector_load %arg15[%parallel_loop3A_306, %parallel_loop3A_307] {strides = array<i32>} : memref<200x64xf32, #tpu.memory_space<vmem>>, vector<16xf32>,
        %parallel_loop3A_309 = arith.mulf %parallel_loop3A_308, %parallel_loop3A_298 : vector<16xf32>
        %parallel_loop3A_310 = arith.index_cast %parallel_loop3A_295 : i32 to index
        %parallel_loop3A_311 = arith.constant 16 : index
        %parallel_loop3A_312 = tpu.vector_load %arg15[%parallel_loop3A_310, %parallel_loop3A_311] {strides = array<i32>} : memref<200x64xf32, #tpu.memory_space<vmem>>, vector<16xf32>,
        tpu.vector_store %arg15[%parallel_loop3A_310, %parallel_loop3A_311], %parallel_loop3A_309 {strides = array<i32>} : memref<200x64xf32, #tpu.memory_space<vmem>>, vector<16xf32>,
        %parallel_loop3A_313 = arith.index_cast %parallel_loop3A_295 : i32 to index
        %parallel_loop3A_314 = arith.constant 32 : index
        %parallel_loop3A_315 = tpu.vector_load %arg15[%parallel_loop3A_313, %parallel_loop3A_314] {strides = array<i32>} : memref<200x64xf32, #tpu.memory_space<vmem>>, vector<16xf32>,
        %parallel_loop3A_316 = arith.mulf %parallel_loop3A_315, %parallel_loop3A_298 : vector<16xf32>
        %parallel_loop3A_317 = arith.index_cast %parallel_loop3A_295 : i32 to index
        %parallel_loop3A_318 = arith.constant 32 : index
        %parallel_loop3A_319 = tpu.vector_load %arg15[%parallel_loop3A_317, %parallel_loop3A_318] {strides = array<i32>} : memref<200x64xf32, #tpu.memory_space<vmem>>, vector<16xf32>,
        tpu.vector_store %arg15[%parallel_loop3A_317, %parallel_loop3A_318], %parallel_loop3A_316 {strides = array<i32>} : memref<200x64xf32, #tpu.memory_space<vmem>>, vector<16xf32>,
        %parallel_loop3A_320 = arith.index_cast %parallel_loop3A_295 : i32 to index
        %parallel_loop3A_321 = arith.constant 48 : index
        %parallel_loop3A_322 = tpu.vector_load %arg15[%parallel_loop3A_320, %parallel_loop3A_321] {strides = array<i32>} : memref<200x64xf32, #tpu.memory_space<vmem>>, vector<16xf32>,
        %parallel_loop3A_323 = arith.mulf %parallel_loop3A_322, %parallel_loop3A_298 : vector<16xf32>
        %parallel_loop3A_324 = arith.index_cast %parallel_loop3A_295 : i32 to index
        %parallel_loop3A_325 = arith.constant 48 : index
        %parallel_loop3A_326 = tpu.vector_load %arg15[%parallel_loop3A_324, %parallel_loop3A_325] {strides = array<i32>} : memref<200x64xf32, #tpu.memory_space<vmem>>, vector<16xf32>,
        tpu.vector_store %arg15[%parallel_loop3A_324, %parallel_loop3A_325], %parallel_loop3A_323 {strides = array<i32>} : memref<200x64xf32, #tpu.memory_space<vmem>>, vector<16xf32>,
      } {sc.loop_unroll_factor = 8 : i64, sc.parallel_access}
      %add3A_223 = arith.addi %mul3A_2, %add3A_196 : i32
      %dma_start3A_224 = arith.constant 2 : i32
      %dma_start3A_225 = arith.constant 0 : i32
      %dma_start3A_226 = arith.constant 0 : i32
      %dma_start3A_227 = tpu.memref_slice %arg7[%add3A_223, %dma_start3A_225, %dma_start3A_226] : memref<4096x200x64xf32, #tpu.memory_space<hbm>> -> memref<1x200x64xf32, #tpu.memory_space<hbm>>
      %dma_start3A_228 = tpu.memref_squeeze %dma_start3A_227 : memref<1x200x64xf32, #tpu.memory_space<hbm>> -> memref<200x64xf32, #tpu.memory_space<hbm>>
      %dma_start3A_229 = tpu.memref_slice %arg18[%dma_start3A_224] : memref<4x!tpu.dma_semaphore, #tpu.memory_space<semaphore_mem>> -> memref<1x!tpu.dma_semaphore, #tpu.memory_space<semaphore_mem>>
      %dma_start3A_230 = tpu.memref_squeeze %dma_start3A_229 : memref<1x!tpu.dma_semaphore, #tpu.memory_space<semaphore_mem>> -> memref<!tpu.dma_semaphore, #tpu.memory_space<semaphore_mem>>
      %dma_start3A_231 = arith.constant 0 : i32
      %dma_start3A_232 = arith.constant 0 : i32
      %dma_start3A_233 = tpu.memref_slice %arg7[%add3A_223, %dma_start3A_231, %dma_start3A_232] : memref<4096x200x64xf32, #tpu.memory_space<hbm>> -> memref<1x200x64xf32, #tpu.memory_space<hbm>>
      %dma_start3A_234 = tpu.memref_squeeze %dma_start3A_233 : memref<1x200x64xf32, #tpu.memory_space<hbm>> -> memref<200x64xf32, #tpu.memory_space<hbm>>
      tpu.enqueue_dma source(%arg15 : memref<200x64xf32, #tpu.memory_space<vmem>>) target(%dma_start3A_234 : memref<200x64xf32, #tpu.memory_space<hbm>>) target_semaphore(%dma_start3A_230 : memref<!tpu.dma_semaphore, #tpu.memory_space<semaphore_mem>>)
      %add3A_235 = arith.constant 4 : i32
      %add3A_236 = arith.addi %add3A_196, %add3A_235 : i32
      %sub3A_237 = arith.constant 1 : i32
      %sub3A_238 = arith.subi %add3A_236, %sub3A_237 : i32
      %lt3A_239 = arith.constant 128 : i32
      %lt3A_240 = arith.cmpi slt, %sub3A_238, %lt3A_239 : i32
      %convert_element_type3A_241 = arith.extui %lt3A_240 : i1 to i32
      %cond3A_242 = arith.constant 0 : i32
      %cond3A_243 = arith.cmpi ne, %convert_element_type3A_241, %cond3A_242 : i32
      scf.if %cond3A_243 {
        %ge3A = arith.constant 1 : i32
        %ge3A_295 = arith.cmpi sge, %add3A_196, %ge3A : i32
        %convert_element_type3A_296 = arith.extui %ge3A_295 : i1 to i32
        %cond3A_297 = arith.constant 0 : i32
        %cond3A_298 = arith.cmpi ne, %convert_element_type3A_296, %cond3A_297 : i32
        scf.if %cond3A_298 {
          %sub3A_315 = arith.constant 1 : i32
          %sub3A_316 = arith.subi %add3A_196, %sub3A_315 : i32
          %add3A_317 = arith.addi %mul3A_2, %sub3A_316 : i32
          %dma_wait3A_318 = arith.constant 1 : i32
          %dma_wait3A_319 = arith.constant 0 : i32
          %dma_wait3A_320 = arith.constant 0 : i32
          %dma_wait3A_321 = tpu.memref_slice %arg7[%add3A_317, %dma_wait3A_319, %dma_wait3A_320] : memref<4096x200x64xf32, #tpu.memory_space<hbm>> -> memref<1x200x64xf32, #tpu.memory_space<hbm>>
          %dma_wait3A_322 = tpu.memref_squeeze %dma_wait3A_321 : memref<1x200x64xf32, #tpu.memory_space<hbm>> -> memref<200x64xf32, #tpu.memory_space<hbm>>
          %dma_wait3A_323 = tpu.memref_slice %arg18[%dma_wait3A_318] : memref<4x!tpu.dma_semaphore, #tpu.memory_space<semaphore_mem>> -> memref<1x!tpu.dma_semaphore, #tpu.memory_space<semaphore_mem>>
          %dma_wait3A_324 = tpu.memref_squeeze %dma_wait3A_323 : memref<1x!tpu.dma_semaphore, #tpu.memory_space<semaphore_mem>> -> memref<!tpu.dma_semaphore, #tpu.memory_space<semaphore_mem>>
          %dma_wait3A_325 = arith.constant 0 : i32
          %dma_wait3A_326 = arith.constant 0 : i32
          %dma_wait3A_327 = tpu.memref_slice %arg7[%add3A_317, %dma_wait3A_325, %dma_wait3A_326] : memref<4096x200x64xf32, #tpu.memory_space<hbm>> -> memref<1x200x64xf32, #tpu.memory_space<hbm>>
          %dma_wait3A_328 = tpu.memref_squeeze %dma_wait3A_327 : memref<1x200x64xf32, #tpu.memory_space<hbm>> -> memref<200x64xf32, #tpu.memory_space<hbm>>
          tpu.wait_dma2 semaphore(%dma_wait3A_324 : memref<!tpu.dma_semaphore, #tpu.memory_space<semaphore_mem>>) src(%arg14 : memref<200x64xf32, #tpu.memory_space<vmem>>) dst(%dma_wait3A_328 : memref<200x64xf32, #tpu.memory_space<hbm>>)
        } else {
        }
        %add3A_299 = arith.constant 4 : i32
        %add3A_300 = arith.addi %add3A_196, %add3A_299 : i32
        %sub3A_301 = arith.constant 1 : i32
        %sub3A_302 = arith.subi %add3A_300, %sub3A_301 : i32
        %add3A_303 = arith.addi %mul3A_2, %sub3A_302 : i32
        %dma_start3A_304 = arith.constant 1 : i32
        %dma_start3A_305 = arith.constant 0 : i32
        %dma_start3A_306 = arith.constant 0 : i32
        %dma_start3A_307 = tpu.memref_slice %arg6[%add3A_303, %dma_start3A_305, %dma_start3A_306] : memref<4096x200x64xf32, #tpu.memory_space<hbm>> -> memref<1x200x64xf32, #tpu.memory_space<hbm>>
        %dma_start3A_308 = tpu.memref_squeeze %dma_start3A_307 : memref<1x200x64xf32, #tpu.memory_space<hbm>> -> memref<200x64xf32, #tpu.memory_space<hbm>>
        %dma_start3A_309 = tpu.memref_slice %arg17[%dma_start3A_304] : memref<4x!tpu.dma_semaphore, #tpu.memory_space<semaphore_mem>> -> memref<1x!tpu.dma_semaphore, #tpu.memory_space<semaphore_mem>>
        %dma_start3A_310 = tpu.memref_squeeze %dma_start3A_309 : memref<1x!tpu.dma_semaphore, #tpu.memory_space<semaphore_mem>> -> memref<!tpu.dma_semaphore, #tpu.memory_space<semaphore_mem>>
        %dma_start3A_311 = arith.constant 0 : i32
        %dma_start3A_312 = arith.constant 0 : i32
        %dma_start3A_313 = tpu.memref_slice %arg6[%add3A_303, %dma_start3A_311, %dma_start3A_312] : memref<4096x200x64xf32, #tpu.memory_space<hbm>> -> memref<1x200x64xf32, #tpu.memory_space<hbm>>
        %dma_start3A_314 = tpu.memref_squeeze %dma_start3A_313 : memref<1x200x64xf32, #tpu.memory_space<hbm>> -> memref<200x64xf32, #tpu.memory_space<hbm>>
        tpu.enqueue_dma source(%dma_start3A_314 : memref<200x64xf32, #tpu.memory_space<hbm>>) target(%arg14 : memref<200x64xf32, #tpu.memory_space<vmem>>) target_semaphore(%dma_start3A_310 : memref<!tpu.dma_semaphore, #tpu.memory_space<semaphore_mem>>)
      } else {
      }
      %mul3A_244 = arith.constant 4 : i32
      %mul3A_245 = arith.muli %scan3A_97, %mul3A_244 : i32
      %add3A_246 = arith.constant 3 : i32
      %add3A_247 = arith.addi %mul3A_245, %add3A_246 : i32
      %rem3A_248 = arith.constant 2 : i32
      %rem3A_249 = arith.remsi %add3A_247, %rem3A_248 : i32
      %eq3A_250 = arith.constant 0 : i32
      %eq3A_251 = arith.cmpi eq, %rem3A_249, %eq3A_250 : i32
      %convert_element_type3A_252 = arith.extui %eq3A_251 : i1 to i32
      %cond3A_253 = arith.constant 0 : i32
      %cond3A_254 = arith.cmpi ne, %convert_element_type3A_252, %cond3A_253 : i32
      scf.if %cond3A_254 {
        %add3A_295 = arith.addi %mul3A_2, %add3A_247 : i32
        %mul3A_296 = arith.constant 200 : i32
        %mul3A_297 = arith.muli %add3A_295, %mul3A_296 : i32
        "tpu.region"() ({
          %run_scoped3A = tpu.sem_alloc : memref<!tpu.dma_semaphore, #tpu.memory_space<semaphore_mem>>
          %dma_start3A_301 = tpu.memref_slice %arg4[%mul3A_297] : memref<819200xf32, #tpu.memory_space<hbm>> -> memref<400xf32, #tpu.memory_space<hbm>>
          %dma_start3A_302 = tpu.memref_slice %arg4[%mul3A_297] : memref<819200xf32, #tpu.memory_space<hbm>> -> memref<400xf32, #tpu.memory_space<hbm>>
          tpu.enqueue_dma source(%dma_start3A_302 : memref<400xf32, #tpu.memory_space<hbm>>) target(%arg10 : memref<400xf32, #tpu.memory_space<vmem>>) target_semaphore(%run_scoped3A : memref<!tpu.dma_semaphore, #tpu.memory_space<semaphore_mem>>)
          %dma_wait3A_303 = tpu.memref_slice %arg4[%mul3A_297] : memref<819200xf32, #tpu.memory_space<hbm>> -> memref<400xf32, #tpu.memory_space<hbm>>
          %dma_wait3A_304 = tpu.memref_slice %arg4[%mul3A_297] : memref<819200xf32, #tpu.memory_space<hbm>> -> memref<400xf32, #tpu.memory_space<hbm>>
          tpu.wait_dma2 semaphore(%run_scoped3A : memref<!tpu.dma_semaphore, #tpu.memory_space<semaphore_mem>>) src(%dma_wait3A_304 : memref<400xf32, #tpu.memory_space<hbm>>) dst(%arg10 : memref<400xf32, #tpu.memory_space<vmem>>)
          tpu.yield
        }) : () -> ()
        "tpu.region"() ({
          %run_scoped3A = tpu.sem_alloc : memref<!tpu.dma_semaphore, #tpu.memory_space<semaphore_mem>>
          %dma_start3A_301 = tpu.memref_slice %arg5[%mul3A_297] : memref<819200xi32, #tpu.memory_space<hbm>> -> memref<400xi32, #tpu.memory_space<hbm>>
          %dma_start3A_302 = tpu.memref_slice %arg5[%mul3A_297] : memref<819200xi32, #tpu.memory_space<hbm>> -> memref<400xi32, #tpu.memory_space<hbm>>
          tpu.enqueue_dma source(%dma_start3A_302 : memref<400xi32, #tpu.memory_space<hbm>>) target(%arg11 : memref<400xi32, #tpu.memory_space<vmem>>) target_semaphore(%run_scoped3A : memref<!tpu.dma_semaphore, #tpu.memory_space<semaphore_mem>>)
          %dma_wait3A_303 = tpu.memref_slice %arg5[%mul3A_297] : memref<819200xi32, #tpu.memory_space<hbm>> -> memref<400xi32, #tpu.memory_space<hbm>>
          %dma_wait3A_304 = tpu.memref_slice %arg5[%mul3A_297] : memref<819200xi32, #tpu.memory_space<hbm>> -> memref<400xi32, #tpu.memory_space<hbm>>
          tpu.wait_dma2 semaphore(%run_scoped3A : memref<!tpu.dma_semaphore, #tpu.memory_space<semaphore_mem>>) src(%dma_wait3A_304 : memref<400xi32, #tpu.memory_space<hbm>>) dst(%arg11 : memref<400xi32, #tpu.memory_space<vmem>>)
          tpu.yield
        }) : () -> ()
        %parallel_loop3A_298 = arith.constant 0 : i32
        %parallel_loop3A_299 = arith.constant 25 : i32
        %parallel_loop3A_300 = arith.constant 1 : i32
        scf.for %parallel_loop3A_301 = %parallel_loop3A_298 to %parallel_loop3A_299 step %parallel_loop3A_300  : i32 {
          %parallel_loop3A_302 = arith.constant 16 : i32
          %parallel_loop3A_303 = arith.muli %parallel_loop3A_301, %parallel_loop3A_302 : i32
          %parallel_loop3A_304 = arith.index_cast %parallel_loop3A_303 : i32 to index
          %parallel_loop3A_305 = tpu.vector_load %arg10[%parallel_loop3A_304] {strides = array<i32>} : memref<400xf32, #tpu.memory_space<vmem>>, vector<16xf32>,
          %parallel_loop3A_306 = arith.constant 16 : i32
          %parallel_loop3A_307 = arith.muli %parallel_loop3A_301, %parallel_loop3A_306 : i32
          %parallel_loop3A_308 = arith.index_cast %parallel_loop3A_307 : i32 to index
          %parallel_loop3A_309 = tpu.vector_load %arg11[%parallel_loop3A_308] {strides = array<i32>} : memref<400xi32, #tpu.memory_space<vmem>>, vector<16xi32>,
          %parallel_loop3A_310 = tpu.vector_load_idx %arg9[%parallel_loop3A_309] : memref<32xf32, #tpu.memory_space<vmem>>[vector<16xi32>], vector<16xf32>,
          %parallel_loop3A_311 = arith.constant 0 : index
          %parallel_loop3A_312 = tpu.vector_load %arg8[%parallel_loop3A_311] {strides = array<i32>} : memref<16xf32, #tpu.memory_space<vmem>>, vector<16xf32>,
          %parallel_loop3A_313 = arith.constant 0.000000e+00 : f32
          %parallel_loop3A_314 = vector.broadcast %parallel_loop3A_313 : f32 to vector<16xf32>
          %parallel_loop3A_315 = arith.subf %parallel_loop3A_314, %parallel_loop3A_312 : vector<16xf32>
          %parallel_loop3A_316 = arith.mulf %parallel_loop3A_305, %parallel_loop3A_315 : vector<16xf32>
          %parallel_loop3A_317 = math.exp %parallel_loop3A_316 : vector<16xf32>
          %parallel_loop3A_318 = arith.mulf %parallel_loop3A_317, %parallel_loop3A_310 : vector<16xf32>
          %parallel_loop3A_319 = arith.constant 16 : i32
          %parallel_loop3A_320 = arith.muli %parallel_loop3A_301, %parallel_loop3A_319 : i32
          %parallel_loop3A_321 = arith.index_cast %parallel_loop3A_320 : i32 to index
          %parallel_loop3A_322 = tpu.vector_load %arg12[%parallel_loop3A_321] {strides = array<i32>} : memref<400xf32, #tpu.memory_space<vmem>>, vector<16xf32>,
          tpu.vector_store %arg12[%parallel_loop3A_321], %parallel_loop3A_318 {strides = array<i32>} : memref<400xf32, #tpu.memory_space<vmem>>, vector<16xf32>,
        } {sc.loop_unroll_factor = 5 : i64, sc.parallel_access}
      } else {
      }
      %add3A_255 = arith.addi %mul3A_2, %add3A_247 : i32
      %dma_wait3A_256 = arith.constant 3 : i32
      %dma_wait3A_257 = arith.constant 0 : i32
      %dma_wait3A_258 = arith.constant 0 : i32
      %dma_wait3A_259 = tpu.memref_slice %arg6[%add3A_255, %dma_wait3A_257, %dma_wait3A_258] : memref<4096x200x64xf32, #tpu.memory_space<hbm>> -> memref<1x200x64xf32, #tpu.memory_space<hbm>>
      %dma_wait3A_260 = tpu.memref_squeeze %dma_wait3A_259 : memref<1x200x64xf32, #tpu.memory_space<hbm>> -> memref<200x64xf32, #tpu.memory_space<hbm>>
      %dma_wait3A_261 = tpu.memref_slice %arg17[%dma_wait3A_256] : memref<4x!tpu.dma_semaphore, #tpu.memory_space<semaphore_mem>> -> memref<1x!tpu.dma_semaphore, #tpu.memory_space<semaphore_mem>>
      %dma_wait3A_262 = tpu.memref_squeeze %dma_wait3A_261 : memref<1x!tpu.dma_semaphore, #tpu.memory_space<semaphore_mem>> -> memref<!tpu.dma_semaphore, #tpu.memory_space<semaphore_mem>>
      %dma_wait3A_263 = arith.constant 0 : i32
      %dma_wait3A_264 = arith.constant 0 : i32
      %dma_wait3A_265 = tpu.memref_slice %arg6[%add3A_255, %dma_wait3A_263, %dma_wait3A_264] : memref<4096x200x64xf32, #tpu.memory_space<hbm>> -> memref<1x200x64xf32, #tpu.memory_space<hbm>>
      %dma_wait3A_266 = tpu.memref_squeeze %dma_wait3A_265 : memref<1x200x64xf32, #tpu.memory_space<hbm>> -> memref<200x64xf32, #tpu.memory_space<hbm>>
      tpu.wait_dma2 semaphore(%dma_wait3A_262 : memref<!tpu.dma_semaphore, #tpu.memory_space<semaphore_mem>>) src(%dma_wait3A_266 : memref<200x64xf32, #tpu.memory_space<hbm>>) dst(%arg16 : memref<200x64xf32, #tpu.memory_space<vmem>>)
      %rem3A_267 = arith.constant 2 : i32
      %rem3A_268 = arith.remsi %add3A_247, %rem3A_267 : i32
      %mul3A_269 = arith.constant 200 : i32
      %mul3A_270 = arith.muli %rem3A_268, %mul3A_269 : i32
      %parallel_loop3A_271 = arith.constant 0 : i32
      %parallel_loop3A_272 = arith.constant 200 : i32
      %parallel_loop3A_273 = arith.constant 1 : i32
      scf.for %parallel_loop3A_295 = %parallel_loop3A_271 to %parallel_loop3A_272 step %parallel_loop3A_273  : i32 {
        %parallel_loop3A_296 = arith.addi %mul3A_270, %parallel_loop3A_295 : i32
        %parallel_loop3A_297 = vector.broadcast %parallel_loop3A_296 : i32 to vector<16xi32>
        %parallel_loop3A_298 = tpu.vector_load_idx %arg12[%parallel_loop3A_297] : memref<400xf32, #tpu.memory_space<vmem>>[vector<16xi32>], vector<16xf32>,
        %parallel_loop3A_299 = arith.index_cast %parallel_loop3A_295 : i32 to index
        %parallel_loop3A_300 = arith.constant 0 : index
        %parallel_loop3A_301 = tpu.vector_load %arg16[%parallel_loop3A_299, %parallel_loop3A_300] {strides = array<i32>} : memref<200x64xf32, #tpu.memory_space<vmem>>, vector<16xf32>,
        %parallel_loop3A_302 = arith.mulf %parallel_loop3A_301, %parallel_loop3A_298 : vector<16xf32>
        %parallel_loop3A_303 = arith.index_cast %parallel_loop3A_295 : i32 to index
        %parallel_loop3A_304 = arith.constant 0 : index
        %parallel_loop3A_305 = tpu.vector_load %arg16[%parallel_loop3A_303, %parallel_loop3A_304] {strides = array<i32>} : memref<200x64xf32, #tpu.memory_space<vmem>>, vector<16xf32>,
        tpu.vector_store %arg16[%parallel_loop3A_303, %parallel_loop3A_304], %parallel_loop3A_302 {strides = array<i32>} : memref<200x64xf32, #tpu.memory_space<vmem>>, vector<16xf32>,
        %parallel_loop3A_306 = arith.index_cast %parallel_loop3A_295 : i32 to index
        %parallel_loop3A_307 = arith.constant 16 : index
        %parallel_loop3A_308 = tpu.vector_load %arg16[%parallel_loop3A_306, %parallel_loop3A_307] {strides = array<i32>} : memref<200x64xf32, #tpu.memory_space<vmem>>, vector<16xf32>,
        %parallel_loop3A_309 = arith.mulf %parallel_loop3A_308, %parallel_loop3A_298 : vector<16xf32>
        %parallel_loop3A_310 = arith.index_cast %parallel_loop3A_295 : i32 to index
        %parallel_loop3A_311 = arith.constant 16 : index
        %parallel_loop3A_312 = tpu.vector_load %arg16[%parallel_loop3A_310, %parallel_loop3A_311] {strides = array<i32>} : memref<200x64xf32, #tpu.memory_space<vmem>>, vector<16xf32>,
        tpu.vector_store %arg16[%parallel_loop3A_310, %parallel_loop3A_311], %parallel_loop3A_309 {strides = array<i32>} : memref<200x64xf32, #tpu.memory_space<vmem>>, vector<16xf32>,
        %parallel_loop3A_313 = arith.index_cast %parallel_loop3A_295 : i32 to index
        %parallel_loop3A_314 = arith.constant 32 : index
        %parallel_loop3A_315 = tpu.vector_load %arg16[%parallel_loop3A_313, %parallel_loop3A_314] {strides = array<i32>} : memref<200x64xf32, #tpu.memory_space<vmem>>, vector<16xf32>,
        %parallel_loop3A_316 = arith.mulf %parallel_loop3A_315, %parallel_loop3A_298 : vector<16xf32>
        %parallel_loop3A_317 = arith.index_cast %parallel_loop3A_295 : i32 to index
        %parallel_loop3A_318 = arith.constant 32 : index
        %parallel_loop3A_319 = tpu.vector_load %arg16[%parallel_loop3A_317, %parallel_loop3A_318] {strides = array<i32>} : memref<200x64xf32, #tpu.memory_space<vmem>>, vector<16xf32>,
        tpu.vector_store %arg16[%parallel_loop3A_317, %parallel_loop3A_318], %parallel_loop3A_316 {strides = array<i32>} : memref<200x64xf32, #tpu.memory_space<vmem>>, vector<16xf32>,
        %parallel_loop3A_320 = arith.index_cast %parallel_loop3A_295 : i32 to index
        %parallel_loop3A_321 = arith.constant 48 : index
        %parallel_loop3A_322 = tpu.vector_load %arg16[%parallel_loop3A_320, %parallel_loop3A_321] {strides = array<i32>} : memref<200x64xf32, #tpu.memory_space<vmem>>, vector<16xf32>,
        %parallel_loop3A_323 = arith.mulf %parallel_loop3A_322, %parallel_loop3A_298 : vector<16xf32>
        %parallel_loop3A_324 = arith.index_cast %parallel_loop3A_295 : i32 to index
        %parallel_loop3A_325 = arith.constant 48 : index
        %parallel_loop3A_326 = tpu.vector_load %arg16[%parallel_loop3A_324, %parallel_loop3A_325] {strides = array<i32>} : memref<200x64xf32, #tpu.memory_space<vmem>>, vector<16xf32>,
        tpu.vector_store %arg16[%parallel_loop3A_324, %parallel_loop3A_325], %parallel_loop3A_323 {strides = array<i32>} : memref<200x64xf32, #tpu.memory_space<vmem>>, vector<16xf32>,
      } {sc.loop_unroll_factor = 8 : i64, sc.parallel_access}
      %add3A_274 = arith.addi %mul3A_2, %add3A_247 : i32
      %dma_start3A_275 = arith.constant 3 : i32
      %dma_start3A_276 = arith.constant 0 : i32
      %dma_start3A_277 = arith.constant 0 : i32
      %dma_start3A_278 = tpu.memref_slice %arg7[%add3A_274, %dma_start3A_276, %dma_start3A_277] : memref<4096x200x64xf32, #tpu.memory_space<hbm>> -> memref<1x200x64xf32, #tpu.memory_space<hbm>>
      %dma_start3A_279 = tpu.memref_squeeze %dma_start3A_278 : memref<1x200x64xf32, #tpu.memory_space<hbm>> -> memref<200x64xf32, #tpu.memory_space<hbm>>
      %dma_start3A_280 = tpu.memref_slice %arg18[%dma_start3A_275] : memref<4x!tpu.dma_semaphore, #tpu.memory_space<semaphore_mem>> -> memref<1x!tpu.dma_semaphore, #tpu.memory_space<semaphore_mem>>
      %dma_start3A_281 = tpu.memref_squeeze %dma_start3A_280 : memref<1x!tpu.dma_semaphore, #tpu.memory_space<semaphore_mem>> -> memref<!tpu.dma_semaphore, #tpu.memory_space<semaphore_mem>>
      %dma_start3A_282 = arith.constant 0 : i32
      %dma_start3A_283 = arith.constant 0 : i32
      %dma_start3A_284 = tpu.memref_slice %arg7[%add3A_274, %dma_start3A_282, %dma_start3A_283] : memref<4096x200x64xf32, #tpu.memory_space<hbm>> -> memref<1x200x64xf32, #tpu.memory_space<hbm>>
      %dma_start3A_285 = tpu.memref_squeeze %dma_start3A_284 : memref<1x200x64xf32, #tpu.memory_space<hbm>> -> memref<200x64xf32, #tpu.memory_space<hbm>>
      tpu.enqueue_dma source(%arg16 : memref<200x64xf32, #tpu.memory_space<vmem>>) target(%dma_start3A_285 : memref<200x64xf32, #tpu.memory_space<hbm>>) target_semaphore(%dma_start3A_281 : memref<!tpu.dma_semaphore, #tpu.memory_space<semaphore_mem>>)
      %add3A_286 = arith.constant 4 : i32
      %add3A_287 = arith.addi %add3A_247, %add3A_286 : i32
      %sub3A_288 = arith.constant 1 : i32
      %sub3A_289 = arith.subi %add3A_287, %sub3A_288 : i32
      %lt3A_290 = arith.constant 128 : i32
      %lt3A_291 = arith.cmpi slt, %sub3A_289, %lt3A_290 : i32
      %convert_element_type3A_292 = arith.extui %lt3A_291 : i1 to i32
      %cond3A_293 = arith.constant 0 : i32
      %cond3A_294 = arith.cmpi ne, %convert_element_type3A_292, %cond3A_293 : i32
      scf.if %cond3A_294 {
        %ge3A = arith.constant 1 : i32
        %ge3A_295 = arith.cmpi sge, %add3A_247, %ge3A : i32
        %convert_element_type3A_296 = arith.extui %ge3A_295 : i1 to i32
        %cond3A_297 = arith.constant 0 : i32
        %cond3A_298 = arith.cmpi ne, %convert_element_type3A_296, %cond3A_297 : i32
        scf.if %cond3A_298 {
          %sub3A_315 = arith.constant 1 : i32
          %sub3A_316 = arith.subi %add3A_247, %sub3A_315 : i32
          %add3A_317 = arith.addi %mul3A_2, %sub3A_316 : i32
          %dma_wait3A_318 = arith.constant 2 : i32
          %dma_wait3A_319 = arith.constant 0 : i32
          %dma_wait3A_320 = arith.constant 0 : i32
          %dma_wait3A_321 = tpu.memref_slice %arg7[%add3A_317, %dma_wait3A_319, %dma_wait3A_320] : memref<4096x200x64xf32, #tpu.memory_space<hbm>> -> memref<1x200x64xf32, #tpu.memory_space<hbm>>
          %dma_wait3A_322 = tpu.memref_squeeze %dma_wait3A_321 : memref<1x200x64xf32, #tpu.memory_space<hbm>> -> memref<200x64xf32, #tpu.memory_space<hbm>>
          %dma_wait3A_323 = tpu.memref_slice %arg18[%dma_wait3A_318] : memref<4x!tpu.dma_semaphore, #tpu.memory_space<semaphore_mem>> -> memref<1x!tpu.dma_semaphore, #tpu.memory_space<semaphore_mem>>
          %dma_wait3A_324 = tpu.memref_squeeze %dma_wait3A_323 : memref<1x!tpu.dma_semaphore, #tpu.memory_space<semaphore_mem>> -> memref<!tpu.dma_semaphore, #tpu.memory_space<semaphore_mem>>
          %dma_wait3A_325 = arith.constant 0 : i32
          %dma_wait3A_326 = arith.constant 0 : i32
          %dma_wait3A_327 = tpu.memref_slice %arg7[%add3A_317, %dma_wait3A_325, %dma_wait3A_326] : memref<4096x200x64xf32, #tpu.memory_space<hbm>> -> memref<1x200x64xf32, #tpu.memory_space<hbm>>
          %dma_wait3A_328 = tpu.memref_squeeze %dma_wait3A_327 : memref<1x200x64xf32, #tpu.memory_space<hbm>> -> memref<200x64xf32, #tpu.memory_space<hbm>>
          tpu.wait_dma2 semaphore(%dma_wait3A_324 : memref<!tpu.dma_semaphore, #tpu.memory_space<semaphore_mem>>) src(%arg15 : memref<200x64xf32, #tpu.memory_space<vmem>>) dst(%dma_wait3A_328 : memref<200x64xf32, #tpu.memory_space<hbm>>)
        } else {
        }
        %add3A_299 = arith.constant 4 : i32
        %add3A_300 = arith.addi %add3A_247, %add3A_299 : i32
        %sub3A_301 = arith.constant 1 : i32
        %sub3A_302 = arith.subi %add3A_300, %sub3A_301 : i32
        %add3A_303 = arith.addi %mul3A_2, %sub3A_302 : i32
        %dma_start3A_304 = arith.constant 2 : i32
        %dma_start3A_305 = arith.constant 0 : i32
        %dma_start3A_306 = arith.constant 0 : i32
        %dma_start3A_307 = tpu.memref_slice %arg6[%add3A_303, %dma_start3A_305, %dma_start3A_306] : memref<4096x200x64xf32, #tpu.memory_space<hbm>> -> memref<1x200x64xf32, #tpu.memory_space<hbm>>
        %dma_start3A_308 = tpu.memref_squeeze %dma_start3A_307 : memref<1x200x64xf32, #tpu.memory_space<hbm>> -> memref<200x64xf32, #tpu.memory_space<hbm>>
        %dma_start3A_309 = tpu.memref_slice %arg17[%dma_start3A_304] : memref<4x!tpu.dma_semaphore, #tpu.memory_space<semaphore_mem>> -> memref<1x!tpu.dma_semaphore, #tpu.memory_space<semaphore_mem>>
        %dma_start3A_310 = tpu.memref_squeeze %dma_start3A_309 : memref<1x!tpu.dma_semaphore, #tpu.memory_space<semaphore_mem>> -> memref<!tpu.dma_semaphore, #tpu.memory_space<semaphore_mem>>
        %dma_start3A_311 = arith.constant 0 : i32
        %dma_start3A_312 = arith.constant 0 : i32
        %dma_start3A_313 = tpu.memref_slice %arg6[%add3A_303, %dma_start3A_311, %dma_start3A_312] : memref<4096x200x64xf32, #tpu.memory_space<hbm>> -> memref<1x200x64xf32, #tpu.memory_space<hbm>>
        %dma_start3A_314 = tpu.memref_squeeze %dma_start3A_313 : memref<1x200x64xf32, #tpu.memory_space<hbm>> -> memref<200x64xf32, #tpu.memory_space<hbm>>
        tpu.enqueue_dma source(%dma_start3A_314 : memref<200x64xf32, #tpu.memory_space<hbm>>) target(%arg15 : memref<200x64xf32, #tpu.memory_space<vmem>>) target_semaphore(%dma_start3A_310 : memref<!tpu.dma_semaphore, #tpu.memory_space<semaphore_mem>>)
      } else {
      }
    }
    %scan3A_45 = arith.constant 32 : i32
    %add3A_46 = arith.constant 124 : i32
    %add3A_47 = arith.addi %mul3A_2, %add3A_46 : i32
    %dma_wait3A = arith.constant 0 : i32
    %dma_wait3A_48 = arith.constant 0 : i32
    %dma_wait3A_49 = arith.constant 0 : i32
    %dma_wait3A_50 = tpu.memref_slice %arg7[%add3A_47, %dma_wait3A_48, %dma_wait3A_49] : memref<4096x200x64xf32, #tpu.memory_space<hbm>> -> memref<1x200x64xf32, #tpu.memory_space<hbm>>
    %dma_wait3A_51 = tpu.memref_squeeze %dma_wait3A_50 : memref<1x200x64xf32, #tpu.memory_space<hbm>> -> memref<200x64xf32, #tpu.memory_space<hbm>>
    %dma_wait3A_52 = tpu.memref_slice %arg18[%dma_wait3A] : memref<4x!tpu.dma_semaphore, #tpu.memory_space<semaphore_mem>> -> memref<1x!tpu.dma_semaphore, #tpu.memory_space<semaphore_mem>>
    %dma_wait3A_53 = tpu.memref_squeeze %dma_wait3A_52 : memref<1x!tpu.dma_semaphore, #tpu.memory_space<semaphore_mem>> -> memref<!tpu.dma_semaphore, #tpu.memory_space<semaphore_mem>>
    %dma_wait3A_54 = arith.constant 0 : i32
    %dma_wait3A_55 = arith.constant 0 : i32
    %dma_wait3A_56 = tpu.memref_slice %arg7[%add3A_47, %dma_wait3A_54, %dma_wait3A_55] : memref<4096x200x64xf32, #tpu.memory_space<hbm>> -> memref<1x200x64xf32, #tpu.memory_space<hbm>>
    %dma_wait3A_57 = tpu.memref_squeeze %dma_wait3A_56 : memref<1x200x64xf32, #tpu.memory_space<hbm>> -> memref<200x64xf32, #tpu.memory_space<hbm>>
    tpu.wait_dma2 semaphore(%dma_wait3A_53 : memref<!tpu.dma_semaphore, #tpu.memory_space<semaphore_mem>>) src(%arg13 : memref<200x64xf32, #tpu.memory_space<vmem>>) dst(%dma_wait3A_57 : memref<200x64xf32, #tpu.memory_space<hbm>>)
    %add3A_58 = arith.constant 125 : i32
    %add3A_59 = arith.addi %mul3A_2, %add3A_58 : i32
    %dma_wait3A_60 = arith.constant 1 : i32
    %dma_wait3A_61 = arith.constant 0 : i32
    %dma_wait3A_62 = arith.constant 0 : i32
    %dma_wait3A_63 = tpu.memref_slice %arg7[%add3A_59, %dma_wait3A_61, %dma_wait3A_62] : memref<4096x200x64xf32, #tpu.memory_space<hbm>> -> memref<1x200x64xf32, #tpu.memory_space<hbm>>
    %dma_wait3A_64 = tpu.memref_squeeze %dma_wait3A_63 : memref<1x200x64xf32, #tpu.memory_space<hbm>> -> memref<200x64xf32, #tpu.memory_space<hbm>>
    %dma_wait3A_65 = tpu.memref_slice %arg18[%dma_wait3A_60] : memref<4x!tpu.dma_semaphore, #tpu.memory_space<semaphore_mem>> -> memref<1x!tpu.dma_semaphore, #tpu.memory_space<semaphore_mem>>
    %dma_wait3A_66 = tpu.memref_squeeze %dma_wait3A_65 : memref<1x!tpu.dma_semaphore, #tpu.memory_space<semaphore_mem>> -> memref<!tpu.dma_semaphore, #tpu.memory_space<semaphore_mem>>
    %dma_wait3A_67 = arith.constant 0 : i32
    %dma_wait3A_68 = arith.constant 0 : i32
    %dma_wait3A_69 = tpu.memref_slice %arg7[%add3A_59, %dma_wait3A_67, %dma_wait3A_68] : memref<4096x200x64xf32, #tpu.memory_space<hbm>> -> memref<1x200x64xf32, #tpu.memory_space<hbm>>
    %dma_wait3A_70 = tpu.memref_squeeze %dma_wait3A_69 : memref<1x200x64xf32, #tpu.memory_space<hbm>> -> memref<200x64xf32, #tpu.memory_space<hbm>>
    tpu.wait_dma2 semaphore(%dma_wait3A_66 : memref<!tpu.dma_semaphore, #tpu.memory_space<semaphore_mem>>) src(%arg14 : memref<200x64xf32, #tpu.memory_space<vmem>>) dst(%dma_wait3A_70 : memref<200x64xf32, #tpu.memory_space<hbm>>)
    %add3A_71 = arith.constant 126 : i32
    %add3A_72 = arith.addi %mul3A_2, %add3A_71 : i32
    %dma_wait3A_73 = arith.constant 2 : i32
    %dma_wait3A_74 = arith.constant 0 : i32
    %dma_wait3A_75 = arith.constant 0 : i32
    %dma_wait3A_76 = tpu.memref_slice %arg7[%add3A_72, %dma_wait3A_74, %dma_wait3A_75] : memref<4096x200x64xf32, #tpu.memory_space<hbm>> -> memref<1x200x64xf32, #tpu.memory_space<hbm>>
    %dma_wait3A_77 = tpu.memref_squeeze %dma_wait3A_76 : memref<1x200x64xf32, #tpu.memory_space<hbm>> -> memref<200x64xf32, #tpu.memory_space<hbm>>
    %dma_wait3A_78 = tpu.memref_slice %arg18[%dma_wait3A_73] : memref<4x!tpu.dma_semaphore, #tpu.memory_space<semaphore_mem>> -> memref<1x!tpu.dma_semaphore, #tpu.memory_space<semaphore_mem>>
    %dma_wait3A_79 = tpu.memref_squeeze %dma_wait3A_78 : memref<1x!tpu.dma_semaphore, #tpu.memory_space<semaphore_mem>> -> memref<!tpu.dma_semaphore, #tpu.memory_space<semaphore_mem>>
    %dma_wait3A_80 = arith.constant 0 : i32
    %dma_wait3A_81 = arith.constant 0 : i32
    %dma_wait3A_82 = tpu.memref_slice %arg7[%add3A_72, %dma_wait3A_80, %dma_wait3A_81] : memref<4096x200x64xf32, #tpu.memory_space<hbm>> -> memref<1x200x64xf32, #tpu.memory_space<hbm>>
    %dma_wait3A_83 = tpu.memref_squeeze %dma_wait3A_82 : memref<1x200x64xf32, #tpu.memory_space<hbm>> -> memref<200x64xf32, #tpu.memory_space<hbm>>
    tpu.wait_dma2 semaphore(%dma_wait3A_79 : memref<!tpu.dma_semaphore, #tpu.memory_space<semaphore_mem>>) src(%arg15 : memref<200x64xf32, #tpu.memory_space<vmem>>) dst(%dma_wait3A_83 : memref<200x64xf32, #tpu.memory_space<hbm>>)
    %add3A_84 = arith.constant 127 : i32
    %add3A_85 = arith.addi %mul3A_2, %add3A_84 : i32
    %dma_wait3A_86 = arith.constant 3 : i32
    %dma_wait3A_87 = arith.constant 0 : i32
    %dma_wait3A_88 = arith.constant 0 : i32
    %dma_wait3A_89 = tpu.memref_slice %arg7[%add3A_85, %dma_wait3A_87, %dma_wait3A_88] : memref<4096x200x64xf32, #tpu.memory_space<hbm>> -> memref<1x200x64xf32, #tpu.memory_space<hbm>>
    %dma_wait3A_90 = tpu.memref_squeeze %dma_wait3A_89 : memref<1x200x64xf32, #tpu.memory_space<hbm>> -> memref<200x64xf32, #tpu.memory_space<hbm>>
    %dma_wait3A_91 = tpu.memref_slice %arg18[%dma_wait3A_86] : memref<4x!tpu.dma_semaphore, #tpu.memory_space<semaphore_mem>> -> memref<1x!tpu.dma_semaphore, #tpu.memory_space<semaphore_mem>>
    %dma_wait3A_92 = tpu.memref_squeeze %dma_wait3A_91 : memref<1x!tpu.dma_semaphore, #tpu.memory_space<semaphore_mem>> -> memref<!tpu.dma_semaphore, #tpu.memory_space<semaphore_mem>>
    %dma_wait3A_93 = arith.constant 0 : i32
    %dma_wait3A_94 = arith.constant 0 : i32
    %dma_wait3A_95 = tpu.memref_slice %arg7[%add3A_85, %dma_wait3A_93, %dma_wait3A_94] : memref<4096x200x64xf32, #tpu.memory_space<hbm>> -> memref<1x200x64xf32, #tpu.memory_space<hbm>>
    %dma_wait3A_96 = tpu.memref_squeeze %dma_wait3A_95 : memref<1x200x64xf32, #tpu.memory_space<hbm>> -> memref<200x64xf32, #tpu.memory_space<hbm>>
    tpu.wait_dma2 semaphore(%dma_wait3A_92 : memref<!tpu.dma_semaphore, #tpu.memory_space<semaphore_mem>>) src(%arg16 : memref<200x64xf32, #tpu.memory_space<vmem>>) dst(%dma_wait3A_96 : memref<200x64xf32, #tpu.memory_space<hbm>>)
    return
  }
}

</mosaic_0001>

<sc_bundles>
// kernel: kernel.3.cloned.1.call-start
scs
__scs_entry_jumppad:
0x0: {  	(pc) =	sbr.rel $0x88, $3  }
0x1: {  	(tag) =	ssettag $0x0;
	lr =	simm.s32 $0x1  }
0x2: {  	[smem:$0x3F9C] =	sst lr;
	_ =	strace $0xD0000000  }
0x3: {  	_ = 	snop  }
0x4: {  	_ = 	snop  }
0x5: {  	_ = 	snop  }
0x6: {  	_ = 	snop  }
0x7: {  	_ = 	snop  }
__scs_overlays_trampoline_lowered:
0x8: {  	[smem:$0x3FAB] =	sst s0  }
0x9: {  	[smem:$0x3FAC] =	sst s1  }
0xa: {  	[smem:$0x3FAD] =	sst s2  }
0xb: {  	[smem:$0x3FAE] =	sst s3  }
0xc: {  	[smem:$0x3FAF] =	sst s4  }
0xd: {  	[smem:$0x3FB0] =	sst s5  }
0xe: {  	[smem:$0x3FB1] =	sst s6  }
0xf: {  	[smem:$0x3FB2] =	sst s7  }
0x10: {  	[smem:$0x3FB3] =	sst s8  }
0x11: {  	[smem:$0x3FB4] =	sst s9;
	s0 =	simm.s32 @!p0 $0x0  }
0x12: {  	s1 =	sld [smem:$0x3F9A];
	s0 =	simm.s32 @p0 $0x1  }
0x13: {  	[smem:$0x3FB5] =	sst s0;
	s0 =	simm.s32 @!p1 $0x0  }
0x14: {  	s2 =	sld [smem:$0x3F99];
	s0 =	simm.s32 @p1 $0x1  }
0x15: {  	[smem:$0x3FB6] =	sst s0;
	s0 =	simm.s32 @!p2 $0x0  }
0x16: {  	s3 =	sld [smem:$0x3FDB];
	s0 =	simm.s32 @p2 $0x1  }
0x17: {  	s4 =	simm.s32 $0x1BF5;
	[smem:$0x3FB8] =	sst s0  }
0x18: {  	s0 =	sld [smem:$0x3F9B];
	_ =	swait.ge [sflag:s4], $0x0  }
0x19: {  	s7 =	sld [smem:$0x3F9C]  }
0x1a: {  	s8 =	sadd.s32 $0xFFFFE003, lr  }
0x1b: {  	s9 =	sadd.s32 $0xFFFFFEF7, lr;
	s5 =	simm.s32 $0xFFFFFFFF;
	p2 =	slt.u32 s8, $0xFFFFF086  }
0x1c: {  	p1 =	slt.u32 s9, $0xF7A;
	s5 =	simm.s32 @!p2 $0x0  }
0x1d: {  	s5 =	simm.s32 @p1 $0x1;
	p0 =	seq.s32 s7, s2  }
0x1e: {  	s7 =	smul.u32 @!p0 $0xF7A, s2;
	p2 =	seq.s32 @!p0 s5, $0x0  }
0x1f: {  	s9 =	smul.u32 $0xF7A, s1;
	s8 =	simm.s32 @!p0 $0x1BF5;
	p2 =	por !p2, p0  }
0x20: {  	[sflag:s8] =	ssyncset.s32 @!p0 $0xFFFFF086;
	s6 =	sadd.s32 @!p0 s3, s7;
	s7 =	simm.s32 @!p0 $0x108  }
0x21: {  	s3 =	sadd.s32 s3, s9;
	s6 =	sadd.s32 @!p0 $0x88, s6;
	s7 =	simm.s32 @p2 $0x1082  }
0x22: {  	[simem:s7], [sflag:s8] =	dma.local @!p0 [hbm:s6], $0xF7A  }
0x23: {  	s9 =	sor.u32 $0xD0000000, s2;
	s6 =	simm.s32 $0x108;
	_ =	swait.ge @!p0 [sflag:s8], $0x0  }
0x24: {  	s3 =	sadd.s32 $0x88, s3;
	s6 =	simm.s32 @!p1 $0x1082;
	[sflag:s4] =	ssyncset.s32 $0xFFFFF086  }
0x25: {  	[simem:s6], [sflag:s4] =	dma.local [hbm:s3], $0xF7A  }
0x26: {  	[smem:$0x3F9C] =	sst s1;
	(tag) =	ssettag s2;
	_ =	strace s9  }
0x27: {  	s1 =	sld [smem:$0x3FAC]  }
0x28: {  	s2 =	sld [smem:$0x3FAD]  }
0x29: {  	s4 =	sld [smem:$0x3FAF]  }
0x2a: {  	p0 =	seq.s32 s5, $0x0;
	s5 =	sld [smem:$0x3FB0]  }
0x2b: {  	s6 =	sld [smem:$0x3FB1]  }
0x2c: {  	s7 =	sld [smem:$0x3FB2]  }
0x2d: {  	s3 =	simm.s32 $0x108;
	s8 =	sld [smem:$0x3FB3]  }
0x2e: {  	s3 =	simm.s32 @!p0 $0x1082;
	s9 =	sld [smem:$0x3FB4]  }
0x2f: {  	lr =	sadd.s32 s0, s3;
	s0 =	sld [smem:$0x3FAB]  }
0x30: {  	s3 =	sld [smem:$0x3FAE]  }
0x31: {  	[smem:$0x3FB7] =	sst s10  }
0x32: {  	s10 =	sld [smem:$0x3FB5];
	_ =	sdelay $0x3  }
0x33: {  	p0 =	seq.s32 s10, $0x1;
	s10 =	sld [smem:$0x3FB7];
	_ =	sdelay $0x3  }
0x34: {  	[smem:$0x3FB7] =	sst s10  }
0x35: {  	s10 =	sld [smem:$0x3FB6];
	_ =	sdelay $0x3  }
0x36: {  	p1 =	seq.s32 s10, $0x1;
	s10 =	sld [smem:$0x3FB7];
	_ =	sdelay $0x3  }
0x37: {  	[smem:$0x3FB7] =	sst s10  }
0x38: {  	s10 =	sld [smem:$0x3FB8]  }
0x39: {  	_ = 	snop;
	(pc) =	sbr.ind lr, $3  }
0x3a: {  	_ = 	snop  }
0x3b: {  	_ = 	snop  }
0x3c: {  	p2 =	seq.s32 s10, $0x1;
	s10 =	sld [smem:$0x3FB7]  }
0x3d: {  	_ =	shalt  }
0x3e: {  	_ =	shalt  }
0x3f: {  	_ =	shalt  }
0x40: {  	_ =	shalt  }
0x41: {  	_ =	shalt  }
0x42: {  	_ =	shalt  }
0x43: {  	_ =	shalt  }
0x44: {  	_ =	shalt  }
0x45: {  	_ =	shalt  }
0x46: {  	_ =	shalt  }
0x47: {  	_ =	shalt  }
0x48: {  	_ =	shalt  }
0x49: {  	_ =	shalt  }
0x4a: {  	_ =	shalt  }
0x4b: {  	_ =	shalt  }
0x4c: {  	_ =	shalt  }
0x4d: {  	_ =	shalt  }
0x4e: {  	_ =	shalt  }
0x4f: {  	_ =	shalt  }
0x50: {  	_ =	shalt  }
0x51: {  	_ =	shalt  }
0x52: {  	_ =	shalt  }
0x53: {  	_ =	shalt  }
0x54: {  	_ =	shalt  }
0x55: {  	_ =	shalt  }
0x56: {  	_ =	shalt  }
0x57: {  	_ =	shalt  }
0x58: {  	_ =	shalt  }
0x59: {  	_ =	shalt  }
0x5a: {  	_ =	shalt  }
0x5b: {  	_ =	shalt  }
0x5c: {  	_ =	shalt  }
0x5d: {  	_ =	shalt  }
0x5e: {  	_ =	shalt  }
0x5f: {  	_ =	shalt  }
0x60: {  	_ =	shalt  }
0x61: {  	_ =	shalt  }
0x62: {  	_ =	shalt  }
0x63: {  	_ =	shalt  }
0x64: {  	_ =	shalt  }
0x65: {  	_ =	shalt  }
0x66: {  	_ =	shalt  }
0x67: {  	_ =	shalt  }
0x68: {  	_ =	shalt  }
0x69: {  	_ =	shalt  }
0x6a: {  	_ =	shalt  }
0x6b: {  	_ =	shalt  }
0x6c: {  	_ =	shalt  }
0x6d: {  	_ =	shalt  }
0x6e: {  	_ =	shalt  }
0x6f: {  	_ =	shalt  }
0x70: {  	_ =	shalt  }
0x71: {  	_ =	shalt  }
0x72: {  	_ =	shalt  }
0x73: {  	_ =	shalt  }
0x74: {  	_ =	shalt  }
0x75: {  	_ =	shalt  }
0x76: {  	_ =	shalt  }
0x77: {  	_ =	shalt  }
0x78: {  	_ =	shalt  }
0x79: {  	_ =	shalt  }
0x7a: {  	_ =	shalt  }
0x7b: {  	_ =	shalt  }
0x7c: {  	_ =	shalt  }
0x7d: {  	_ =	shalt  }
0x7e: {  	_ =	shalt  }
0x7f: {  	_ =	shalt  }
0x80: {  	_ =	shalt  }
0x81: {  	_ =	shalt  }
0x82: {  	_ =	shalt  }
0x83: {  	_ =	shalt  }
0x84: {  	_ =	shalt  }
0x85: {  	_ =	shalt  }
0x86: {  	_ =	shalt  }
0x87: {  	_ =	shalt  }
.Lfunc_end0:
.L_simem_size_0:
called_computation_lowered:
.L_overlay_start_0:
0x88: {  	s2 =	sld [smem:$0x3FD9]  }
0x89: {  	s3 =	sld [smem:$0x3FFE];
	_ =	sdelay $0x1  }
0x8a: {  	s1 =	srdreg.scid  }
0x8b: {  	s0 =	sand.u32 $0x1, s1  }
0x8c: {  	s17 =	sshll.u32 s0, $0xA;
	s2 =	sadd.s32 s3, s2  }
0x8d: {  	s2 =	sadd.s32 s2, s17  }
0x8e: {  	[smem:$0x3FC3] =	sst s2  }
0x8f: {  	_ = 	snop  }
0x90: {  	s2 =	sld [smem:$0x3FC6]  }
0x91: {  	s18 =	sld [smem:$0x3FD0];
	(tm) =	ssettm $0x1  }
0x92: {  	s4 =	sld [smem:$0x3FFB];
	_ =	sdelay $0x3  }
0x93: {  	_ =	strace s4  }
0x94: {  	s4 =	sld [smem:$0x3FFC];
	_ =	sdelay $0x3  }
0x95: {  	_ =	strace s4  }
0x96: {  	s4 =	sld [smem:$0x3FFD];
	_ =	sdelay $0x3  }
0x97: {  	_ =	strace s4  }
0x98: {  	_ =	strace $0x8FFFFFFF  }
0x99: {  	s19 =	sld [smem:$0x3FDB];
	_ =	sdelay $0x1  }
0x9a: {  	s5 =	simm.s32 $_scs_section_size  }
0x9b: {  	s6 =	simm.s32 $_size__tile_overlayer_lowered;
	s7 =	simm.s32 $_tile_overlayer_lowered  }
0x9c: {  	s22 =	simm.s32 $0x1BFF;
	s21 =	sshll.u32 s7, $0x1;
	s4 =	sadd.s32 s5, s19  }
0x9d: {  	s8 =	simm.s32 $0x0;
	s20 =	sshll.u32 s6, $0x1;
	s6 =	sadd.s32 s21, s4  }
0x9e: {  	[timem:s8], [sflag:s22] =	dma.local [hbm:s6], s20  }
0x9f: {  	_ =	swait.ge [sflag:s22], s20  }
0xa0: {  	s5 =	ssub.s32 $0x0, s20;
	[sflag:s22] =	ssyncset.done $0x0  }
0xa1: {  	[sflag:s22] =	ssyncadd.s32 s5;
	_ =	sdelay $0x1  }
0xa2: {  	s23 =	simm.s32 $0x1B8B  }
0xa3: {  	_ =	swait.ge [sflag:s23], $0x1  }
0xa4: {  	[sflag:s23] =	ssyncset.done $0x0  }
0xa5: {  	s25 =	simm.s32 $0x1B8E;
	s24 =	sld [smem:$0x3FFE];
	[sflag:s23] =	ssyncadd.s32 $0xFFFFFFFF  }
0xa6: {  	s26 =	simm.s32 $execute0_lowered;
	[smem:$0x3FD2] =	sst s25  }
0xa7: {  	s6 =	sshll.u32 s26, $0x1;
	_ =	strace $0x80000046;
	[dreg:$0x1] =	wrdreg $0xFFFFFFFF  }
0xa8: {  	s28 =	simm.s32 $_size_execute0_lowered;
	s4 =	sadd.s32 s4, s6;
	[dreg:$0x0] =	wrdreg $0x0  }
0xa9: {  	s6 =	sshll.u32 s28, $0x1;
	[dreg:$0x2] =	wrdreg s4  }
0xaa: {  	[dreg:$0x3] =	wrdreg s6  }
0xab: {  	[dreg:$0x4] =	wrdreg $0xC0  }
0xac: {  	_ =	task [dreg:s8], $0x5FFFF  }
0xad: {  	[dreg:$0x1] =	wrdreg $0xFFFFFFFF  }
0xae: {  	[dreg:$0x0] =	wrdreg $0x60  }
0xaf: {  	[dreg:$0x2] =	wrdreg s24  }
0xb0: {  	[dreg:$0x3] =	wrdreg s2  }
0xb1: {  	[dreg:$0x4] =	wrdreg s18  }
0xb2: {  	[dreg:$0x5] =	wrdreg $0x9  }
0xb3: {  	_ =	task.clear_ibuf [dreg:s8], $0x6FFFF;
	_ =	strace $0x90000046  }
0xb4: {  	s29 =	simm.s32 $0x9;
	_ =	strace $0x80000048  }
0xb5: {  	_ =	swait.ge [sflag:s29], $0x1  }
0xb6: {  	[sflag:s29] =	ssyncadd.s32 $0xFFFFFFFF  }
0xb7: {  	_ =	strace $0x90000048  }
0xb8: {  	_ =	sfence  }
0xb9: {  	s30 =	sld [smem:$0x0];
	_ =	sdelay $0x2  }
0xba: {  	s31 =	sshll.u32 s1, $0xD;
	s1 =	sshrl.u32 s1, $0x2  }
0xbb: {  	s3 =	sand.u32 $0x4000, s31;
	s1 =	sadd.s32 s1, s30  }
0xbc: {  	s0 =	sor.u32 s3, s0;
	s1 =	sshll.u32 s1, $0x11  }
0xbd: {  	s0 =	sor.u32 s1, s0  }
0xbe: {  	s0 =	sadd.s32 $0x8F2B, s0  }
0xbf: {  	[sflag:s0] =	ssyncadd.remote.s32 $0x1  }
0xc0: {  	_ =	sfence.sel $0xFFFF  }
0xc1: {  	[dreg:$0x0] =	wrdreg $0xFFFFFFFF;
	(pc) =	sbr.abs _section_cstart, $3  }
0xc2: {  	[dreg:$0x1] =	wrdreg $0xFFFFFFFF  }
0xc3: {  	_ =	task.clear_ibuf [dreg:s8], $0x2FFFF;
	_ =	strace $0x9FFFFFFF  }
0xc4: {  	(tm) =	ssettm $0x7FFFFFFF  }
0xc5: {  	_ =	shalt  }
tec
execute0_lowered:
.L_overlay_start_1:
0x0: {  	(tag) =	ssettag $0x1  }
0x1: {  	s0 =	rddreg [dreg:$0x0]  }
0x2: {  	s3 =	rddreg [dreg:$0x2];
	s1 =	srdreg.scid;
	s4 =	simm.s32 $0x0  }
0x3: {  	s2 =	stileid.u32;
	s17 =	simm.s32 $0x9;
	s18 =	simm.s32 $0x80  }
0x4: {  	s20 =	simm.s32 $0x6B00;
	s21 =	simm.s32 $0xCF00;
	s22 =	simm.s32 $0x100  }
0x5: {  	s23 =	simm.s32 $0x300;
	s28 =	simm.s32 $0x2;
	s29 =	simm.s32 $0x3  }
0x6: {  	s30 =	simm.s32 $0x4;
	s1 =	sand.u32 $0x1, s1;
	[smem:$0x7FF] =	sst s4  }
0x7: {  	s2 =	sshll.u32 s2, $0x8;
	s24 =	sadd.s32 $0xC99600, s0;
	s7 =	sadd.s32 $0x600, s0  }
0x8: {  	s8 =	sadd.s32 $0x19600, s0;
	s9 =	sadd.s32 $0xC99800, s0;
	s5 =	sshll.u32 s1, $0x7  }
0x9: {  	_ =	strace $0x80000047;
	[dreg:$0x4] =	wrdreg s24;
	s1 =	ssub.s32 $0x2, s1  }
0xa: {  	s24 =	simm.s32 $0x1;
	s5 =	sor.u32 s5, s2;
	s6 =	sshrl.u32 s1, $0x1  }
0xb: {  	s25 =	smul.u32 $0xC80, s5;
	s26 =	ssub.s32 s1, s6;
	s13 =	sor.u32 $0x4, s5  }
.Ltmp0:
0xc: {  	s14 =	sor.u32 $0x5, s5;
	s0 =	smax.u32 s26, $0x1;
	(pc) =	sbr.rel .LBB2_1-.Ltmp0, $4  }
0xd: {  	s15 =	sor.u32 $0x6, s5;
	s31 =	sadd.s32 s8, s25;
	[dreg:$0x8] =	wrdreg s0  }
0xe: {  	s6 =	simm.s32 $0x0;
	s2 =	sadd.s32 $0xC80, s31;
	[dreg:$0x5] =	wrdreg s31  }
0xf: {  	s26 =	simm.s32 $0x13300;
	s1 =	sadd.s32 $0x1900, s31;
	[dreg:$0x6] =	wrdreg s2  }
0x10: {  	s25 =	simm.s32 $0x500;
	[dreg:$0x7] =	wrdreg s1;
	s2 =	simm.s32 $0x7  }
.LBB2_16:
0x11: {  	s0 =	simm.s32 $0x5  }
0x12: {  	_ =	swait.ge [sflag:s0], $0x6400  }
0x13: {  	[sflag:s0] =	ssyncset.done $0x0  }
0x14: {  	s19 =	simm.s32 $0x6;
	[sflag:s0] =	ssyncadd.s32 $0xFFFF9C00  }
0x15: {  	_ =	swait.ge [sflag:s19], $0x6400  }
0x16: {  	[sflag:s19] =	ssyncset.done $0x0  }
0x17: {  	[sflag:s19] =	ssyncadd.s32 $0xFFFF9C00  }
0x18: {  	_ =	swait.ge [sflag:s2], $0x6400  }
0x19: {  	[sflag:s2] =	ssyncset.done $0x0  }
0x1a: {  	s1 =	simm.s32 $0x8;
	[sflag:s2] =	ssyncadd.s32 $0xFFFF9C00  }
0x1b: {  	_ =	swait.ge [sflag:s1], $0x6400  }
0x1c: {  	s6 =	rddreg [dreg:$0x9]  }
0x1d: {  	s31 =	rddreg [dreg:$0x8];
	s6 =	sadd.s32 $0x1, s6  }
0x1e: {  	p0 =	sne.s32 s6, s31  }
.Ltmp1:
0x1f: {  	_ = 	snop;
	(pc) =	sbr.rel @!p0 .LBB2_17-.Ltmp1, $3  }
0x20: {  	_ =	sdelay $0x1  }
0x21: {  	[sflag:s1] =	ssyncset.done $0x0  }
0x22: {  	[sflag:s1] =	ssyncadd.s32 $0xFFFF9C00  }
.LBB2_1:
0x23: {  	[dreg:$0x9] =	wrdreg s6  }
0x24: {  	s0 =	rddreg [dreg:$0x4]  }
0x25: {  	[tilespmem:s4], [sflag:$0x9] =	stream.linear.gather [hbm4b:s0+s4], $0x80, $0x38;
	[tilespmem:$0x19700] =	vst v63  }
0x26: {  	_ =	swait.ge [sflag:s17], $0x80  }
0x27: {  	[sflag:s17] =	ssyncset.done $0x0  }
0x28: {  	[sflag:s17] =	ssyncadd.s32 $0xFFFFFF80  }
0x29: {  	s12 =	rddreg [dreg:$0x1]  }
0x2a: {  	[tilespmem:s18], [sflag:$0x9] =	stream.linear.gather [hbm4b:s12+s4], $0x80, $0x38;
	[tilespmem:$0x19700] =	vst v63  }
0x2b: {  	_ =	swait.ge [sflag:s17], $0x80  }
0x2c: {  	[sflag:s17] =	ssyncset.done $0x0  }
0x2d: {  	s1 =	simm.s32 $0x700;
	s16 =	rddreg [dreg:$0x5];
	[sflag:s17] =	ssyncadd.s32 $0xFFFFFF80  }
0x2e: {  	[tilespmem:s1], [sflag:$0x1] =	stream.linear.gather [hbm4b:s16+s4], $0x6400, $0x38;
	[tilespmem:$0x19700] =	vst v63  }
0x2f: {  	s19 =	rddreg [dreg:$0x6]  }
0x30: {  	[tilespmem:s20], [sflag:$0x2] =	stream.linear.gather [hbm4b:s19+s4], $0x6400, $0x38;
	[tilespmem:$0x19700] =	vst v63  }
0x31: {  	s11 =	simm.s32 $0x0;
	s31 =	rddreg [dreg:$0x7]  }
0x32: {  	[tilespmem:s21], [sflag:$0x3] =	stream.linear.gather [hbm4b:s31+s4], $0x6400, $0x38;
	[tilespmem:$0x19700] =	vst v63  }
.LBB2_2:
0x33: {  	s12 =	sshll.u32 s11, $0x2  }
0x34: {  	s10 =	sor.u32 s5, s12  }
0x35: {  	s0 =	smul.u32 $0x19, s10;
	_ =	sdelay $0x1  }
0x36: {  	s1 =	sadd.s32 s3, s0  }
0x37: {  	[tilespmem:s22], [sflag:$0x9] =	stream.linear.gather [hbm4b:s1+s4], $0x190, $0x38;
	[tilespmem:$0x19700] =	vst v63  }
0x38: {  	_ =	swait.ge [sflag:s17], $0x190  }
0x39: {  	[sflag:s17] =	ssyncset.done $0x0  }
0x3a: {  	s0 =	sadd.s32 s7, s0;
	[sflag:s17] =	ssyncadd.s32 $0xFFFFFE70  }
0x3b: {  	[tilespmem:s23], [sflag:$0x9] =	stream.linear.gather [hbm4b:s0+s4], $0x190, $0x38;
	[tilespmem:$0x19700] =	vst v63  }
0x3c: {  	_ =	swait.ge [sflag:s17], $0x190  }
0x3d: {  	[sflag:s17] =	ssyncset.done $0x0  }
0x3e: {  	[sflag:s17] =	ssyncadd.s32 $0xFFFFFE70  }
0x3f: {  	v0 =	vld [tilespmem:$0x0]  }
0x40: {  	s16 =	simm.s32 $0x120  }
0x41: {  	s19 =	simm.s32 $0x320;
	v1 =	vld [tilespmem:s16+$0x20]  }
0x42: {  	v3 =	vld [tilespmem:s19+$0x20]  }
0x43: {  	v2 =	vld [tilespmem:s16+$0xFFFFFFF0]  }
0x44: {  	v5 =	vld [tilespmem:s19+$0xFFFFFFE0];
	v0 =	vsub.f32 $0.0e+00, v0  }
0x45: {  	v4 =	vld [tilespmem:s16+$0x0]  }
0x46: {  	v6 =	vld [tilespmem:s16+$0x10];
	v1 =	vmul.f32 v1, v0  }
0x47: {  	v7 =	vld [tilespmem:s16+$0xFFFFFFE0]  }
0x48: {  	v8 =	vld [tilespmem:s19+$0xFFFFFFF0];
	v1 =	vmul.f32 $1.442695020e+00, v1  }
0x49: {  	v9 =	vld [tilespmem:s19+$0x0]  }
0x4a: {  	v2 =	vmul.f32 v2, v0;
	(erf) = vpow2.f32 v1;
	v1 =	vld.idx.msk [tilespmem:v3+s18+$0x0], $0xffff  }
0x4b: {  	v3 =	vmul.f32 v4, v0;
	v4 =	vld [tilespmem:$0x0]  }
0x4c: {  	s0 =	simm.s32 $0x170;
	v7 =	vmul.f32 v0, v7;
	v12 =	vld.idx.msk [tilespmem:v5+s18+$0x0], $0xffff;
	v2 =	vmul.f32 $1.442695020e+00, v2  }
0x4d: {  	v5 =	vld [tilespmem:s0+$0x20];
	v0 =	vmul.f32 v6, v0;
	v3 =	vmul.f32 $1.442695020e+00, v3  }
0x4e: {  	v6 =	vmul.f32 $1.442695020e+00, v7;
	(erf) = vpow2.f32 v2;
	v2 =	vld [tilespmem:s0+$0xFFFFFFF0]  }
0x4f: {  	v7 =	vld [tilespmem:s0+$0x0];
	(erf) = vpow2.f32 v3  }
0x50: {  	v11 =	vld [tilespmem:s0+$0xFFFFFFE0];
	v0 =	vmul.f32 $1.442695020e+00, v0;
	(erf) = vpow2.f32 v6;
	v4 =	vsub.f32 $0.0e+00, v4  }
0x51: {  	v6 =	vld [tilespmem:s0+$0x10]  }
0x52: {  	v10 =	vld [tilespmem:s19+$0x10];
	s16 =	simm.s32 $0x370;
	(erf) = vpow2.f32 v0;
	v5 =	vmul.f32 v5, v4  }
0x53: {  	v13 =	vld [tilespmem:s16+$0x20];
	v2 =	vmul.f32 v2, v4  }
0x54: {  	v3 =	vld [tilespmem:s16+$0xFFFFFFE0];
	v7 =	vmul.f32 v7, v4;
	v0 =	vpop (erf);
	v5 =	vmul.f32 $1.442695020e+00, v5  }
0x55: {  	v15 =	vmul.f32 $1.442695020e+00, v2;
	v14 =	vmul.f32 v0, v1;
	v0 =	vld [tilespmem:s16+$0xFFFFFFF0]  }
0x56: {  	v11 =	vmul.f32 v4, v11;
	v1 =	vld [tilespmem:s16+$0x0];
	v16 =	vmul.f32 v6, v4  }
0x57: {  	v6 =	vld [tilespmem:s16+$0x10];
	v2 =	vpop (erf);
	(erf) = vpow2.f32 v5;
	v5 =	vmul.f32 $1.442695020e+00, v7  }
0x58: {  	v17 =	vmul.f32 $1.442695020e+00, v11;
	v7 =	vld.idx.msk [tilespmem:v8+s18+$0x0], $0xffff;
	v4 =	vpop (erf)  }
0x59: {  	v8 =	vld.idx.msk [tilespmem:v9+s18+$0x0], $0xffff;
	(erf) = vpow2.f32 v15;
	v11 =	vmul.f32 $1.442695020e+00, v16;
	v15 =	vpop (erf)  }
0x5a: {  	s31 =	simm.s32 $0x520;
	v9 =	vld.idx.msk [tilespmem:v10+s18+$0x0], $0xffff;
	(erf) = vpow2.f32 v5;
	v12 =	vmul.f32 v15, v12  }
0x5b: {  	s1 =	simm.s32 $0x5;
	v10 =	vld.idx.msk [tilespmem:v13+s18+$0x0], $0xffff;
	[tilespmem:s31+$0x20] =	vst v14;
	(erf) = vpow2.f32 v17;
	v5 =	vpop (erf)  }
.LBB2_3:
0x5c: {  	v13 =	vld [tilespmem:$0x0];
	s1 =	sadd.s32 $0x5, s1;
	(erf) = vpow2.f32 v11;
	[tilespmem:s31+$0xFFFFFFE0] =	vst v12;
	v14 =	vmov v6  }
0x5d: {  	s0 =	sadd.s32 $0x50, s0;
	p0 =	slt.u32 s1, $0x14;
	v12 =	vld.idx.msk [tilespmem:v3+s18+$0x0], $0xffff  }
0x5e: {  	v2 =	vmul.f32 v2, v7;
	v3 =	vld [tilespmem:s0+$0x20]  }
0x5f: {  	v4 =	vmul.f32 v4, v8;
	v6 =	vld [tilespmem:s0+$0xFFFFFFF0]  }
0x60: {  	v5 =	vmul.f32 v5, v9;
	v7 =	vld [tilespmem:s0+$0x0];
	v8 =	vpop (erf);
	[tilespmem:s31+$0xFFFFFFF0] =	vst v2  }
0x61: {  	v9 =	vsub.f32 $0.0e+00, v13;
	v11 =	vld [tilespmem:s0+$0x10];
	v8 =	vmul.f32 v8, v10;
	[tilespmem:s31+$0x0] =	vst v4  }
0x62: {  	s16 =	sadd.s32 $0x50, s16;
	v10 =	vld [tilespmem:s0+$0xFFFFFFE0];
	v2 =	vpop (erf);
	[tilespmem:s31+$0x10] =	vst v5;
	s31 =	sadd.s32 $0x50, s31  }
0x63: {  	v13 =	vld [tilespmem:s16+$0x20];
	v17 =	vmul.f32 v3, v9;
	[tilespmem:s31+$0x20] =	vst v8;
	v4 =	vpop (erf)  }
0x64: {  	v3 =	vld [tilespmem:s16+$0xFFFFFFE0];
	v6 =	vmul.f32 v6, v9;
	v15 =	vpop (erf)  }
0x65: {  	v16 =	vld [tilespmem:s16+$0xFFFFFFF0];
	v7 =	vmul.f32 v7, v9;
	v8 =	vmul.f32 $1.442695020e+00, v17;
	v5 =	vpop (erf)  }
0x66: {  	v17 =	vmul.f32 $1.442695020e+00, v6;
	v18 =	vld [tilespmem:s16+$0x0];
	v11 =	vmul.f32 v11, v9  }
.Ltmp2:
0x67: {  	v9 =	vmul.f32 v9, v10;
	v6 =	vld [tilespmem:s16+$0x10];
	(erf) = vpow2.f32 v8;
	(pc) =	sbr.rel @p0 .LBB2_3-.Ltmp2, $4  }
0x68: {  	v10 =	vmul.f32 $1.442695020e+00, v7;
	v11 =	vmul.f32 $1.442695020e+00, v11;
	v7 =	vld.idx.msk [tilespmem:v0+s18+$0x0], $0xffff  }
0x69: {  	v19 =	vmul.f32 $1.442695020e+00, v9;
	(erf) = vpow2.f32 v17;
	v8 =	vld.idx.msk [tilespmem:v1+s18+$0x0], $0xffff  }
0x6a: {  	v12 =	vmul.f32 v15, v12;
	(erf) = vpow2.f32 v10;
	v9 =	vld.idx.msk [tilespmem:v14+s18+$0x0], $0xffff;
	v0 =	vmov v16  }
0x6b: {  	v10 =	vld.idx.msk [tilespmem:v13+s18+$0x0], $0xffff;
	(erf) = vpow2.f32 v19;
	v1 =	vmov v18  }
0x6c: {  	_ =	sdelay $0x1  }
0x6d: {  	(erf) = vpow2.f32 v11;
	_ =	sdelay $0x1  }
0x6e: {  	v0 =	vld.idx.msk [tilespmem:v0+s18+$0x0], $0xffff  }
0x6f: {  	v3 =	vld.idx.msk [tilespmem:v3+s18+$0x0], $0xffff;
	v2 =	vmul.f32 v2, v7;
	v4 =	vmul.f32 v4, v8  }
0x70: {  	v1 =	vld.idx.msk [tilespmem:v1+s18+$0x0], $0xffff;
	[tilespmem:s31+$0xFFFFFFE0] =	vst v12;
	v7 =	vpop (erf)  }
0x71: {  	v6 =	vld.idx.msk [tilespmem:v6+s18+$0x0], $0xffff;
	[tilespmem:s31+$0xFFFFFFF0] =	vst v2;
	v2 =	vmul.f32 v5, v9;
	v8 =	vpop (erf)  }
0x72: {  	[tilespmem:s31+$0x0] =	vst v4;
	v7 =	vmul.f32 v7, v10;
	v5 =	vpop (erf)  }
0x73: {  	s0 =	sadd.s32 $0x50, s31;
	[tilespmem:s31+$0x10] =	vst v2;
	v0 =	vmul.f32 v8, v0;
	v4 =	vpop (erf)  }
0x74: {  	[tilespmem:s0+$0x20] =	vst v7;
	v2 =	vmul.f32 v4, v3  }
0x75: {  	s1 =	simm.s32 $0x0;
	v1 =	vmul.f32 v5, v1;
	v3 =	vpop (erf);
	[tilespmem:s0+$0xFFFFFFF0] =	vst v0  }
0x76: {  	s6 =	simm.s32 $0x1;
	s31 =	simm.s32 $0x7;
	[tilespmem:s0+$0xFFFFFFE0] =	vst v2;
	v2 =	vmul.f32 v3, v6;
	v3 =	vmov s1  }
0x77: {  	s16 =	simm.s32 $0x2;
	v4 =	vmov s6;
	[tilespmem:s0+$0x0] =	vst v1;
	v0 =	vand.u32 $0xFFFFFFF8, v3;
	v3 =	vmov s31  }
0x78: {  	v1 =	vmov s16;
	s16 =	simm.s32 $0x4;
	v5 =	vbroadcast v0, $0x0;
	v0 =	vand.u32 $0xFFFFFFF9, v4;
	[tilespmem:s0+$0x10] =	vst v2  }
0x79: {  	s19 =	simm.s32 $0x5;
	v1 =	vand.u32 $0xFFFFFFFA, v1;
	v4 =	vbroadcast v0, $0x0;
	_ =	swait.ge [sflag:s24], $0x6400;
	v0 =	vmov s16  }
0x7a: {  	v6 =	vmov s19;
	v1 =	vbroadcast v1, $0x0;
	s31 =	simm.s32 $0x6;
	[sflag:s24] =	ssyncset.done $0x0;
	v0 =	vand.u32 $0xFFFFFFFC, v0  }
0x7b: {  	v6 =	vand.u32 $0xFFFFFFFD, v6;
	[sflag:s24] =	ssyncadd.s32 $0xFFFF9C00;
	v7 =	vbroadcast v0, $0x0;
	v0 =	vmov s31  }
0x7c: {  	v6 =	vbroadcast v6, $0x0;
	s16 =	simm.s32 $0x900;
	v8 =	vand.u32 $0xFFFFFFFE, v0;
	v0 =	vld.idx.msk [tilespmem:v3+s25+$0x0], $0xffff  }
0x7d: {  	v9 =	vld [tilespmem:s16+$0xFFFFFE10]  }
0x7e: {  	v3 =	vld.idx.msk [tilespmem:v5+s25+$0x0], $0xffff;
	v5 =	vbroadcast v8, $0x0  }
0x7f: {  	v11 =	vld [tilespmem:s16+$0xFFFFFE20]  }
0x80: {  	v12 =	vld [tilespmem:s16+$0xFFFFFE30]  }
0x81: {  	s6 =	simm.s32 $0x3;
	v8 =	vld.idx.msk [tilespmem:v1+s25+$0x0], $0xffff  }
0x82: {  	v2 =	vmov s6;
	v10 =	vld.idx.msk [tilespmem:v6+s25+$0x0], $0xffff  }
0x83: {  	v2 =	vand.u32 $0xFFFFFFFB, v2;
	v6 =	vld [tilespmem:s16+$0xFFFFFE00]  }
0x84: {  	v2 =	vbroadcast v2, $0x0;
	v1 =	vld.idx.msk [tilespmem:v5+s25+$0x0], $0xffff  }
0x85: {  	v5 =	vld [tilespmem:s16+$0x130]  }
0x86: {  	v13 =	vld [tilespmem:s16+$0xFFFFFE80]  }
0x87: {  	v14 =	vld [tilespmem:s16+$0xFFFFFE90]  }
0x88: {  	v15 =	vld [tilespmem:s16+$0xFFFFFEA0]  }
0x89: {  	v4 =	vld.idx.msk [tilespmem:v4+s25+$0x0], $0xffff;
	v6 =	vmul.f32 v6, v3  }
0x8a: {  	v2 =	vld.idx.msk [tilespmem:v2+s25+$0x0], $0xffff;
	v5 =	vmul.f32 v5, v1  }
0x8b: {  	v7 =	vld.idx.msk [tilespmem:v7+s25+$0x0], $0xffff;
	v9 =	vmul.f32 v9, v3;
	[tilespmem:s16+$0xFFFFFE00] =	vst v6  }
0x8c: {  	v6 =	vld [tilespmem:s16+$0xFFFFFEB0];
	[tilespmem:s16+$0x130] =	vst v5;
	v5 =	vmul.f32 v11, v3  }
0x8d: {  	[tilespmem:s16+$0xFFFFFE10] =	vst v9;
	v9 =	vld [tilespmem:s16+$0xFFFFFF00];
	v3 =	vmul.f32 v12, v3  }
0x8e: {  	v11 =	vld [tilespmem:s16+$0xFFFFFF10];
	[tilespmem:s16+$0xFFFFFE20] =	vst v5;
	v5 =	vmul.f32 v13, v4  }
0x8f: {  	v12 =	vld [tilespmem:s16+$0xFFFFFF20];
	[tilespmem:s16+$0xFFFFFE30] =	vst v3;
	v3 =	vmul.f32 v14, v4  }
0x90: {  	v13 =	vld [tilespmem:s16+$0xFFFFFF30];
	[tilespmem:s16+$0xFFFFFE80] =	vst v5;
	v5 =	vmul.f32 v15, v4  }
0x91: {  	[tilespmem:s16+$0xFFFFFE90] =	vst v3;
	v3 =	vmul.f32 v6, v4;
	v4 =	vld [tilespmem:s16+$0xFFFFFF80]  }
0x92: {  	v6 =	vld [tilespmem:s16+$0xFFFFFF90];
	[tilespmem:s16+$0xFFFFFEA0] =	vst v5;
	v5 =	vmul.f32 v9, v8  }
0x93: {  	[tilespmem:s16+$0xFFFFFEB0] =	vst v3;
	v3 =	vmul.f32 v11, v8;
	v9 =	vld [tilespmem:s16+$0xFFFFFFA0]  }
0x94: {  	v11 =	vld [tilespmem:s16+$0xFFFFFFB0];
	[tilespmem:s16+$0xFFFFFF00] =	vst v5;
	v5 =	vmul.f32 v12, v8  }
0x95: {  	[tilespmem:s16+$0xFFFFFF10] =	vst v3;
	v3 =	vmul.f32 v13, v8;
	v8 =	vld [tilespmem:s16+$0x0]  }
0x96: {  	v13 =	vld [tilespmem:s16+$0xA0];
	v4 =	vmul.f32 v4, v2;
	[tilespmem:s16+$0xFFFFFF20] =	vst v5  }
0x97: {  	v5 =	vld [tilespmem:s16+$0x10];
	[tilespmem:s16+$0xFFFFFF30] =	vst v3;
	v3 =	vmul.f32 v6, v2  }
0x98: {  	v6 =	vld [tilespmem:s16+$0x20];
	[tilespmem:s16+$0xFFFFFF80] =	vst v4;
	v4 =	vmul.f32 v9, v2  }
0x99: {  	v9 =	vld [tilespmem:s16+$0x30];
	v2 =	vmul.f32 v11, v2;
	[tilespmem:s16+$0xFFFFFF90] =	vst v3  }
0x9a: {  	s19 =	simm.s32 $0x9;
	v11 =	vld [tilespmem:s16+$0x80];
	[tilespmem:s16+$0xFFFFFFA0] =	vst v4;
	v4 =	vmul.f32 v8, v7  }
0x9b: {  	v14 =	vmov s19;
	s19 =	simm.s32 $0xC;
	v8 =	vld [tilespmem:s16+$0x90];
	[tilespmem:s16+$0xFFFFFFB0] =	vst v2;
	v13 =	vmul.f32 v13, v10  }
0x9c: {  	s1 =	simm.s32 $0x8;
	s31 =	simm.s32 $0xA;
	v16 =	vld [tilespmem:s16+$0xB0];
	v18 =	vmov s19;
	v2 =	vmul.f32 v5, v7;
	[tilespmem:s16+$0x0] =	vst v4  }
0x9d: {  	s6 =	simm.s32 $0xF;
	v19 =	vld [tilespmem:s16+$0x100];
	v15 =	vmov s31;
	v3 =	vmov s1;
	v5 =	vmul.f32 v6, v7;
	[tilespmem:s16+$0xA0] =	vst v13  }
0x9e: {  	s31 =	simm.s32 $0xD;
	v12 =	vand.u32 $0xFFFFFFF8, v3;
	v3 =	vmov s6;
	s6 =	simm.s32 $0xB;
	[tilespmem:s16+$0x10] =	vst v2;
	v2 =	vmul.f32 v9, v7  }
0x9f: {  	v20 =	vmov s31;
	v17 =	vmov s6;
	[tilespmem:s16+$0x20] =	vst v5;
	v7 =	vmul.f32 v11, v10;
	v5 =	vld [tilespmem:s16+$0x110]  }
0xa0: {  	v4 =	vbroadcast v12, $0x0;
	v6 =	vld [tilespmem:s16+$0x120];
	v9 =	vand.u32 $0xFFFFFFF9, v14;
	[tilespmem:s16+$0x30] =	vst v2;
	v2 =	vmul.f32 v8, v10  }
0xa1: {  	v12 =	vmul.f32 v16, v10;
	v11 =	vand.u32 $0xFFFFFFFA, v15;
	v8 =	vbroadcast v9, $0x0;
	[tilespmem:s16+$0x80] =	vst v7;
	v7 =	vld [tilespmem:s16+$0x180]  }
0xa2: {  	v13 =	vmul.f32 v19, v1;
	v15 =	vand.u32 $0xFFFFFFFB, v17;
	v9 =	vbroadcast v11, $0x0;
	[tilespmem:s16+$0x90] =	vst v2;
	v2 =	vld [tilespmem:s16+$0x190]  }
0xa3: {  	s0 =	simm.s32 $0x10;
	s1 =	simm.s32 $0xE;
	v14 =	vand.u32 $0xFFFFFFFC, v18;
	v11 =	vbroadcast v15, $0x0;
	v15 =	vand.u32 $0xFFFFFFFD, v20;
	v10 =	vld [tilespmem:s16+$0x1A0]  }
.LBB2_5:
0xa4: {  	p0 =	slt.u32 s0, $0xC0;
	v14 =	vbroadcast v14, $0x0;
	v16 =	vmov s1;
	[tilespmem:s16+$0xB0] =	vst v12;
	v5 =	vmul.f32 v5, v1;
	v12 =	vld [tilespmem:s16+$0x1B0]  }
0xa5: {  	v15 =	vbroadcast v15, $0x0;
	v16 =	vand.u32 $0xFFFFFFFE, v16;
	v3 =	vld.idx.msk [tilespmem:v3+s25+$0x0], $0xffff;
	[tilespmem:s16+$0x100] =	vst v13;
	v1 =	vmul.f32 v6, v1  }
0xa6: {  	v4 =	vld.idx.msk [tilespmem:v4+s25+$0x0], $0xffff;
	v6 =	vbroadcast v16, $0x0;
	[tilespmem:s16+$0x110] =	vst v5;
	v5 =	vmul.f32 v7, v0  }
0xa7: {  	v7 =	vld.idx.msk [tilespmem:v8+s25+$0x0], $0xffff;
	[tilespmem:s16+$0x120] =	vst v1;
	v1 =	vmul.f32 v2, v0  }
0xa8: {  	v8 =	vld.idx.msk [tilespmem:v9+s25+$0x0], $0xffff;
	[tilespmem:s16+$0x180] =	vst v5;
	v2 =	vmul.f32 v10, v0  }
0xa9: {  	v5 =	vld.idx.msk [tilespmem:v11+s25+$0x0], $0xffff;
	[tilespmem:s16+$0x190] =	vst v1;
	v1 =	vmul.f32 v12, v0  }
0xaa: {  	v9 =	vld.idx.msk [tilespmem:v14+s25+$0x0], $0xffff;
	[tilespmem:s16+$0x1A0] =	vst v2  }
0xab: {  	v0 =	vmov v3;
	v2 =	vld.idx.msk [tilespmem:v15+s25+$0x0], $0xffff;
	[tilespmem:s16+$0x1B0] =	vst v1  }
0xac: {  	s16 =	sadd.s32 $0x400, s16;
	v1 =	vld.idx.msk [tilespmem:v6+s25+$0x0], $0xffff  }
0xad: {  	v3 =	vld [tilespmem:s16+$0x130]  }
0xae: {  	v6 =	vld [tilespmem:s16+$0xFFFFFE00]  }
0xaf: {  	v10 =	vld [tilespmem:s16+$0xFFFFFE10]  }
0xb0: {  	v11 =	vld [tilespmem:s16+$0xFFFFFE20]  }
0xb1: {  	v12 =	vld [tilespmem:s16+$0xFFFFFE30]  }
0xb2: {  	v13 =	vld [tilespmem:s16+$0xFFFFFE80];
	v3 =	vmul.f32 v3, v1  }
0xb3: {  	v6 =	vmul.f32 v6, v4;
	v14 =	vld [tilespmem:s16+$0xFFFFFE90]  }
0xb4: {  	v10 =	vmul.f32 v10, v4;
	v15 =	vld [tilespmem:s16+$0xFFFFFEA0];
	[tilespmem:s16+$0x130] =	vst v3  }
0xb5: {  	[tilespmem:s16+$0xFFFFFE00] =	vst v6;
	v3 =	vmul.f32 v11, v4;
	v6 =	vld [tilespmem:s16+$0xFFFFFEB0]  }
0xb6: {  	[tilespmem:s16+$0xFFFFFE10] =	vst v10;
	v4 =	vmul.f32 v12, v4;
	v10 =	vld [tilespmem:s16+$0xFFFFFF00]  }
0xb7: {  	[tilespmem:s16+$0xFFFFFE20] =	vst v3;
	v3 =	vmul.f32 v13, v7;
	v11 =	vld [tilespmem:s16+$0xFFFFFF10]  }
0xb8: {  	[tilespmem:s16+$0xFFFFFE30] =	vst v4;
	v4 =	vmul.f32 v14, v7;
	v12 =	vld [tilespmem:s16+$0xFFFFFF20]  }
0xb9: {  	[tilespmem:s16+$0xFFFFFE80] =	vst v3;
	v3 =	vmul.f32 v15, v7;
	v13 =	vld [tilespmem:s16+$0xFFFFFF30]  }
0xba: {  	[tilespmem:s16+$0xFFFFFE90] =	vst v4;
	v4 =	vmul.f32 v6, v7;
	v6 =	vld [tilespmem:s16+$0xFFFFFF80]  }
0xbb: {  	[tilespmem:s16+$0xFFFFFEA0] =	vst v3;
	v3 =	vmul.f32 v10, v8;
	v7 =	vld [tilespmem:s16+$0xFFFFFF90]  }
0xbc: {  	[tilespmem:s16+$0xFFFFFEB0] =	vst v4;
	v4 =	vmul.f32 v11, v8;
	v10 =	vld [tilespmem:s16+$0xFFFFFFA0]  }
0xbd: {  	[tilespmem:s16+$0xFFFFFF00] =	vst v3;
	v3 =	vmul.f32 v12, v8;
	v11 =	vld [tilespmem:s16+$0xFFFFFFB0]  }
0xbe: {  	[tilespmem:s16+$0xFFFFFF10] =	vst v4;
	v4 =	vmul.f32 v13, v8;
	v8 =	vld [tilespmem:s16+$0x0]  }
0xbf: {  	[tilespmem:s16+$0xFFFFFF20] =	vst v3;
	v3 =	vmul.f32 v6, v5;
	v6 =	vld [tilespmem:s16+$0x10]  }
0xc0: {  	[tilespmem:s16+$0xFFFFFF30] =	vst v4;
	v4 =	vmul.f32 v7, v5;
	v7 =	vld [tilespmem:s16+$0x20]  }
0xc1: {  	[tilespmem:s16+$0xFFFFFF80] =	vst v3;
	v3 =	vmul.f32 v10, v5;
	v10 =	vld [tilespmem:s16+$0x30]  }
0xc2: {  	[tilespmem:s16+$0xFFFFFF90] =	vst v4;
	v4 =	vmul.f32 v11, v5;
	v5 =	vld [tilespmem:s16+$0x80]  }
0xc3: {  	s1 =	sadd.s32 $0x7, s0;
	v11 =	vmov s0;
	[tilespmem:s16+$0xFFFFFFA0] =	vst v3;
	v8 =	vmul.f32 v8, v9;
	v12 =	vld [tilespmem:s16+$0x90]  }
0xc4: {  	s6 =	sadd.s32 $0x1, s0;
	s31 =	sadd.s32 $0x2, s0;
	v11 =	vand.u32 $0xFFFFFFF8, v11;
	v3 =	vmov s1;
	[tilespmem:s16+$0xFFFFFFB0] =	vst v4;
	v4 =	vmul.f32 v6, v9;
	v13 =	vld [tilespmem:s16+$0xA0]  }
0xc5: {  	v14 =	vmov s31;
	s1 =	sadd.s32 $0x3, s0;
	v6 =	vmov s6;
	s6 =	sadd.s32 $0x4, s0;
	[tilespmem:s16+$0x0] =	vst v8;
	v7 =	vmul.f32 v7, v9;
	v15 =	vld [tilespmem:s16+$0xB0]  }
0xc6: {  	v16 =	vmov s1;
	s1 =	sadd.s32 $0x5, s0;
	v17 =	vmov s6;
	[tilespmem:s16+$0x10] =	vst v4;
	v8 =	vmul.f32 v10, v9;
	v10 =	vld [tilespmem:s16+$0x100]  }
.Ltmp3:
0xc7: {  	v18 =	vmov s1;
	v4 =	vbroadcast v11, $0x0;
	[tilespmem:s16+$0x20] =	vst v7;
	v7 =	vmul.f32 v5, v2;
	v5 =	vld [tilespmem:s16+$0x110];
	(pc) =	sbr.rel @p0 .LBB2_5-.Ltmp3, $4  }
0xc8: {  	v9 =	vand.u32 $0xFFFFFFF9, v6;
	v11 =	vand.u32 $0xFFFFFFFA, v14;
	[tilespmem:s16+$0x30] =	vst v8;
	v12 =	vmul.f32 v12, v2;
	v6 =	vld [tilespmem:s16+$0x120]  }
0xc9: {  	v16 =	vand.u32 $0xFFFFFFFB, v16;
	v8 =	vbroadcast v9, $0x0;
	[tilespmem:s16+$0x80] =	vst v7;
	v13 =	vmul.f32 v13, v2;
	v7 =	vld [tilespmem:s16+$0x180]  }
0xca: {  	v14 =	vand.u32 $0xFFFFFFFC, v17;
	v9 =	vbroadcast v11, $0x0;
	[tilespmem:s16+$0x90] =	vst v12;
	v12 =	vmul.f32 v15, v2;
	v2 =	vld [tilespmem:s16+$0x190]  }
0xcb: {  	s1 =	sadd.s32 $0x6, s0;
	s0 =	sadd.s32 $0x8, s0;
	v11 =	vbroadcast v16, $0x0;
	v15 =	vand.u32 $0xFFFFFFFD, v18;
	[tilespmem:s16+$0xA0] =	vst v13;
	v13 =	vmul.f32 v10, v1;
	v10 =	vld [tilespmem:s16+$0x1A0]  }
0xcc: {  	_ =	sdelay $0x2  }
0xcd: {  	v17 =	vld [tilespmem:s16+$0x1B0]  }
0xce: {  	v3 =	vld.idx.msk [tilespmem:v3+s25+$0x0], $0xffff  }
0xcf: {  	v16 =	vmov s1;
	v4 =	vld.idx.msk [tilespmem:v4+s25+$0x0], $0xffff  }
0xd0: {  	v8 =	vld.idx.msk [tilespmem:v8+s25+$0x0], $0xffff;
	v16 =	vand.u32 $0xFFFFFFFE, v16  }
0xd1: {  	v9 =	vld.idx.msk [tilespmem:v9+s25+$0x0], $0xffff;
	v16 =	vbroadcast v16, $0x0  }
0xd2: {  	s0 =	sadd.s32 $0x400, s16;
	v11 =	vld.idx.msk [tilespmem:v11+s25+$0x0], $0xffff  }
0xd3: {  	v5 =	vmul.f32 v5, v1;
	v1 =	vmul.f32 v6, v1;
	v6 =	vld [tilespmem:s0+$0x130]  }
0xd4: {  	v14 =	vbroadcast v14, $0x0;
	v55 =	vld [tilespmem:s0+$0xFFFFFEA0]  }
0xd5: {  	[tilespmem:s16+$0x110] =	vst v5;
	v5 =	vmul.f32 v7, v0;
	v7 =	vld [tilespmem:s0+$0xFFFFFE00]  }
0xd6: {  	[tilespmem:s16+$0x120] =	vst v1;
	v1 =	vmul.f32 v2, v0;
	v2 =	vld [tilespmem:s0+$0xFFFFFE10]  }
0xd7: {  	v15 =	vbroadcast v15, $0x0;
	[tilespmem:s16+$0xB0] =	vst v12;
	v54 =	vld.idx.msk [tilespmem:v16+s25+$0x0], $0xffff  }
0xd8: {  	[tilespmem:s16+$0x180] =	vst v5;
	v5 =	vmul.f32 v10, v0;
	v10 =	vld [tilespmem:s0+$0xFFFFFE20]  }
0xd9: {  	[tilespmem:s16+$0x190] =	vst v1;
	v0 =	vmul.f32 v17, v0;
	v1 =	vld [tilespmem:s0+$0xFFFFFE30]  }
0xda: {  	v14 =	vld.idx.msk [tilespmem:v14+s25+$0x0], $0xffff;
	[tilespmem:s16+$0x1A0] =	vst v5  }
0xdb: {  	v5 =	vld [tilespmem:s0+$0xFFFFFE80];
	[tilespmem:s16+$0x1B0] =	vst v0;
	v0 =	vmul.f32 v7, v4  }
0xdc: {  	[tilespmem:s16+$0x100] =	vst v13;
	v7 =	vld [tilespmem:s0+$0xFFFFFE90];
	v6 =	vmul.f32 v6, v54  }
0xdd: {  	v15 =	vld.idx.msk [tilespmem:v15+s25+$0x0], $0xffff;
	v2 =	vmul.f32 v2, v4;
	[tilespmem:s0+$0xFFFFFE00] =	vst v0  }
0xde: {  	v0 =	vmul.f32 v10, v4;
	[tilespmem:s0+$0x130] =	vst v6;
	v6 =	vld [tilespmem:s0+$0xFFFFFEB0]  }
0xdf: {  	[tilespmem:s0+$0xFFFFFE10] =	vst v2;
	v1 =	vmul.f32 v1, v4;
	v2 =	vld [tilespmem:s0+$0xFFFFFF00]  }
0xe0: {  	v4 =	vld [tilespmem:s0+$0xFFFFFF10];
	[tilespmem:s0+$0xFFFFFE20] =	vst v0;
	v0 =	vmul.f32 v5, v8  }
0xe1: {  	v5 =	vld [tilespmem:s0+$0xFFFFFF20];
	[tilespmem:s0+$0xFFFFFE30] =	vst v1;
	v1 =	vmul.f32 v7, v8  }
0xe2: {  	v7 =	vld [tilespmem:s0+$0xFFFFFF30];
	[tilespmem:s0+$0xFFFFFE80] =	vst v0;
	v0 =	vmul.f32 v55, v8  }
0xe3: {  	[tilespmem:s0+$0xFFFFFE90] =	vst v1;
	v1 =	vmul.f32 v6, v8;
	v6 =	vld [tilespmem:s0+$0xFFFFFF80]  }
0xe4: {  	[tilespmem:s0+$0xFFFFFEA0] =	vst v0;
	v0 =	vmul.f32 v2, v9;
	v2 =	vld [tilespmem:s0+$0xFFFFFF90]  }
0xe5: {  	[tilespmem:s0+$0xFFFFFEB0] =	vst v1;
	v1 =	vmul.f32 v4, v9;
	v4 =	vld [tilespmem:s0+$0xFFFFFFA0]  }
0xe6: {  	[tilespmem:s0+$0xFFFFFF00] =	vst v0;
	v0 =	vmul.f32 v5, v9;
	v5 =	vld [tilespmem:s0+$0xFFFFFFB0]  }
0xe7: {  	[tilespmem:s0+$0xFFFFFF10] =	vst v1;
	v1 =	vmul.f32 v7, v9;
	v7 =	vld [tilespmem:s0+$0x0]  }
0xe8: {  	[tilespmem:s0+$0xFFFFFF20] =	vst v0;
	v0 =	vmul.f32 v6, v11;
	v6 =	vld [tilespmem:s0+$0x10]  }
0xe9: {  	[tilespmem:s0+$0xFFFFFF30] =	vst v1;
	v1 =	vmul.f32 v2, v11;
	v2 =	vld [tilespmem:s0+$0x20]  }
0xea: {  	[tilespmem:s0+$0xFFFFFF80] =	vst v0;
	v0 =	vmul.f32 v4, v11;
	v4 =	vld [tilespmem:s0+$0x30]  }
0xeb: {  	[tilespmem:s0+$0xFFFFFF90] =	vst v1;
	v1 =	vmul.f32 v5, v11;
	v5 =	vld [tilespmem:s0+$0x80]  }
0xec: {  	[tilespmem:s0+$0xFFFFFFA0] =	vst v0;
	v0 =	vmul.f32 v7, v14;
	v7 =	vld [tilespmem:s0+$0x90]  }
0xed: {  	[tilespmem:s0+$0xFFFFFFB0] =	vst v1;
	v1 =	vmul.f32 v6, v14;
	v6 =	vld [tilespmem:s0+$0xA0]  }
0xee: {  	[tilespmem:s0+$0x0] =	vst v0;
	v0 =	vmul.f32 v2, v14;
	v2 =	vld [tilespmem:s0+$0xB0]  }
0xef: {  	[tilespmem:s0+$0x10] =	vst v1;
	v1 =	vmul.f32 v4, v14;
	v4 =	vld [tilespmem:s0+$0x100]  }
0xf0: {  	[tilespmem:s0+$0x20] =	vst v0;
	v0 =	vmul.f32 v5, v15;
	v5 =	vld [tilespmem:s0+$0x110]  }
0xf1: {  	[tilespmem:s0+$0x30] =	vst v1;
	v1 =	vmul.f32 v7, v15;
	v7 =	vld [tilespmem:s0+$0x120]  }
0xf2: {  	[tilespmem:s0+$0x80] =	vst v0;
	v0 =	vmul.f32 v6, v15;
	v6 =	vld [tilespmem:s0+$0x180]  }
0xf3: {  	[tilespmem:s0+$0x90] =	vst v1;
	v1 =	vmul.f32 v2, v15;
	v2 =	vld [tilespmem:s0+$0x190]  }
0xf4: {  	[tilespmem:s0+$0xA0] =	vst v0;
	v0 =	vmul.f32 v4, v54;
	v4 =	vld [tilespmem:s0+$0x1A0]  }
0xf5: {  	[tilespmem:s0+$0xB0] =	vst v1;
	v1 =	vmul.f32 v5, v54;
	v5 =	vld [tilespmem:s0+$0x1B0]  }
0xf6: {  	[tilespmem:s0+$0x100] =	vst v0;
	v0 =	vmul.f32 v7, v54  }
0xf7: {  	[tilespmem:s0+$0x110] =	vst v1;
	v1 =	vmul.f32 v6, v3  }
0xf8: {  	[tilespmem:s0+$0x120] =	vst v0;
	v0 =	vmul.f32 v2, v3  }
0xf9: {  	[tilespmem:s0+$0x180] =	vst v1;
	v1 =	vmul.f32 v4, v3  }
0xfa: {  	s19 =	smul.u32 $0xC80, s10;
	[tilespmem:s0+$0x190] =	vst v0;
	v0 =	vmul.f32 v5, v3  }
0xfb: {  	s6 =	simm.s32 $0x700;
	p0 =	seq.s32 s11, $0x0;
	[tilespmem:s0+$0x1A0] =	vst v1  }
0xfc: {  	s1 =	simm.s32 $0xC8;
	s16 =	sadd.s32 s9, s19;
	[tilespmem:s0+$0x1B0] =	vst v0;
	s0 =	simm.s32 @!p0 $0x8  }
0xfd: {  	[hbm4b:s16+s4] =	stream.linear.scatter [tilespmem:s6], [sflag:$0x5], $0x6400, $0x38;
	[tilespmem:$0x19700] =	vst v63  }
0xfe: {  	v0 =	vmov s1;
	s6 =	simm.s32 $0xCF;
	_ =	swait.ge @!p0 [sflag:s0], $0x6400  }
0xff: {  	s16 =	sadd.s32 $0x2580, s19;
	v0 =	vand.u32 $0xFFFFFFF8, v0;
	v1 =	vmov s6;
	s6 =	simm.s32 $0xCA;
	[sflag:s0] =	ssyncset.done @!p0 $0x0  }
0x100: {  	s1 =	simm.s32 $0xCC;
	s19 =	sadd.s32 s8, s16;
	v4 =	vbroadcast v0, $0x0;
	v3 =	vmov s6;
	[sflag:s0] =	ssyncadd.s32 @!p0 $0xFFFF9C00  }
0x101: {  	v5 =	vmov s1;
	v3 =	vand.u32 $0xFFFFFFFA, v3;
	[tilespmem:s26], [sflag:$0x4] =	stream.linear.gather [hbm4b:s19+s4], $0x6400, $0x38;
	[tilespmem:$0x19700] =	vst v63  }
0x102: {  	v5 =	vand.u32 $0xFFFFFFFC, v5;
	s19 =	simm.s32 $0xC9;
	v3 =	vbroadcast v3, $0x0  }
0x103: {  	v5 =	vbroadcast v5, $0x0;
	v2 =	vmov s19;
	s19 =	simm.s32 $0xCB;
	_ =	swait.ge [sflag:s28], $0x6400  }
0x104: {  	s6 =	simm.s32 $0xCD;
	v2 =	vand.u32 $0xFFFFFFF9, v2;
	v0 =	vmov s19;
	[sflag:s28] =	ssyncset.done $0x0  }
0x105: {  	v6 =	vmov s6;
	v2 =	vbroadcast v2, $0x0;
	v0 =	vand.u32 $0xFFFFFFFB, v0;
	[sflag:s28] =	ssyncadd.s32 $0xFFFF9C00  }
0x106: {  	s19 =	simm.s32 $0xCE;
	v7 =	vbroadcast v0, $0x0;
	v0 =	vand.u32 $0xFFFFFFFD, v6;
	v9 =	vld.idx.msk [tilespmem:v4+s25+$0x0], $0xffff  }
0x107: {  	v6 =	vmov s19;
	v8 =	vbroadcast v0, $0x0;
	v0 =	vld.idx.msk [tilespmem:v1+s25+$0x0], $0xffff  }
0x108: {  	v6 =	vand.u32 $0xFFFFFFFE, v6;
	v10 =	vld.idx.msk [tilespmem:v3+s25+$0x0], $0xffff  }
0x109: {  	s31 =	simm.s32 $0x6D00;
	v1 =	vbroadcast v6, $0x0;
	v3 =	vld.idx.msk [tilespmem:v5+s25+$0x0], $0xffff  }
0x10a: {  	v5 =	vld [tilespmem:s31+$0x130]  }
0x10b: {  	v6 =	vld.idx.msk [tilespmem:v2+s25+$0x0], $0xffff  }
0x10c: {  	v4 =	vld.idx.msk [tilespmem:v7+s25+$0x0], $0xffff  }
0x10d: {  	v7 =	vld [tilespmem:s31+$0xFFFFFE00]  }
0x10e: {  	v2 =	vld.idx.msk [tilespmem:v8+s25+$0x0], $0xffff  }
0x10f: {  	v1 =	vld.idx.msk [tilespmem:v1+s25+$0x0], $0xffff  }
0x110: {  	v8 =	vld [tilespmem:s31+$0xFFFFFE10]  }
0x111: {  	v11 =	vld [tilespmem:s31+$0xFFFFFE20]  }
0x112: {  	v56 =	vld [tilespmem:s31+$0xFFFFFE30]  }
0x113: {  	v57 =	vld [tilespmem:s31+$0xFFFFFE80];
	v7 =	vmul.f32 v7, v9  }
0x114: {  	v58 =	vld [tilespmem:s31+$0xFFFFFE90];
	v5 =	vmul.f32 v5, v1  }
0x115: {  	v59 =	vld [tilespmem:s31+$0xFFFFFEA0];
	v8 =	vmul.f32 v8, v9;
	[tilespmem:s31+$0xFFFFFE00] =	vst v7  }
0x116: {  	v7 =	vld [tilespmem:s31+$0xFFFFFEB0];
	[tilespmem:s31+$0x130] =	vst v5;
	v5 =	vmul.f32 v11, v9  }
0x117: {  	[tilespmem:s31+$0xFFFFFE10] =	vst v8;
	v8 =	vmul.f32 v56, v9;
	v9 =	vld [tilespmem:s31+$0xFFFFFF00]  }
0x118: {  	v11 =	vld [tilespmem:s31+$0xFFFFFF10];
	[tilespmem:s31+$0xFFFFFE20] =	vst v5;
	v5 =	vmul.f32 v57, v6  }
0x119: {  	v60 =	vld [tilespmem:s31+$0xFFFFFF20];
	[tilespmem:s31+$0xFFFFFE30] =	vst v8;
	v8 =	vmul.f32 v58, v6  }
0x11a: {  	v61 =	vld [tilespmem:s31+$0xFFFFFF30];
	[tilespmem:s31+$0xFFFFFE80] =	vst v5;
	v5 =	vmul.f32 v59, v6  }
0x11b: {  	[tilespmem:s31+$0xFFFFFE90] =	vst v8;
	v6 =	vmul.f32 v7, v6;
	v7 =	vld [tilespmem:s31+$0xFFFFFF80]  }
0x11c: {  	v62 =	vld [tilespmem:s31+$0xFFFFFF90];
	[tilespmem:s31+$0xFFFFFEA0] =	vst v5;
	v5 =	vmul.f32 v9, v10  }
0x11d: {  	v63 =	vld [tilespmem:s31+$0xFFFFFFA0];
	[tilespmem:s31+$0xFFFFFEB0] =	vst v6;
	v6 =	vmul.f32 v11, v10  }
0x11e: {  	v9 =	vld [tilespmem:s31+$0xFFFFFFB0];
	[tilespmem:s31+$0xFFFFFF00] =	vst v5;
	v5 =	vmul.f32 v60, v10  }
0x11f: {  	v8 =	vld [tilespmem:s31+$0x0];
	[tilespmem:s31+$0xFFFFFF10] =	vst v6;
	v6 =	vmul.f32 v61, v10  }
0x120: {  	v10 =	vmul.f32 v7, v4;
	v7 =	vld [tilespmem:s31+$0x10];
	[tilespmem:s31+$0xFFFFFF20] =	vst v5  }
0x121: {  	v11 =	vmul.f32 v62, v4;
	[tilespmem:s31+$0xFFFFFF30] =	vst v6;
	v5 =	vld [tilespmem:s31+$0x20]  }
0x122: {  	s0 =	simm.s32 $0x0;
	v6 =	vld [tilespmem:s31+$0x30];
	[tilespmem:s31+$0xFFFFFF80] =	vst v10;
	v10 =	vmul.f32 v63, v4  }
.LBB2_7:
0x123: {  	s1 =	sadd.s32 $0xD7, s0;
	[tilespmem:s31+$0xFFFFFF90] =	vst v11;
	v4 =	vmul.f32 v9, v4;
	v9 =	vld [tilespmem:s31+$0x80]  }
0x124: {  	s6 =	sadd.s32 $0xD0, s0;
	s19 =	sadd.s32 $0xD1, s0;
	v11 =	vmov s1;
	[tilespmem:s31+$0xFFFFFFA0] =	vst v10;
	v8 =	vmul.f32 v8, v3;
	v10 =	vld [tilespmem:s31+$0x90]  }
0x125: {  	v12 =	vmov s6;
	v13 =	vmov s19;
	s1 =	sadd.s32 $0xD2, s0;
	s6 =	sadd.s32 $0xD3, s0;
	[tilespmem:s31+$0xFFFFFFB0] =	vst v4;
	v4 =	vmul.f32 v7, v3;
	v7 =	vld [tilespmem:s31+$0xA0]  }
0x126: {  	v14 =	vmov s1;
	v15 =	vmov s6;
	s1 =	sadd.s32 $0xD4, s0;
	s6 =	sadd.s32 $0xD5, s0;
	[tilespmem:s31+$0x0] =	vst v8;
	v5 =	vmul.f32 v5, v3;
	v8 =	vld [tilespmem:s31+$0xB0]  }
0x127: {  	v16 =	vmov s1;
	v17 =	vmov s6;
	[tilespmem:s31+$0x10] =	vst v4;
	v3 =	vmul.f32 v6, v3;
	v4 =	vld [tilespmem:s31+$0x100]  }
0x128: {  	v6 =	vand.u32 $0xFFFFFFF8, v12;
	v12 =	vand.u32 $0xFFFFFFF9, v13;
	[tilespmem:s31+$0x20] =	vst v5;
	v5 =	vmul.f32 v9, v2;
	v9 =	vld [tilespmem:s31+$0x110]  }
0x129: {  	v13 =	vand.u32 $0xFFFFFFFA, v14;
	v6 =	vbroadcast v6, $0x0;
	[tilespmem:s31+$0x30] =	vst v3;
	v3 =	vmul.f32 v10, v2;
	v10 =	vld [tilespmem:s31+$0x120]  }
0x12a: {  	v14 =	vand.u32 $0xFFFFFFFB, v15;
	v12 =	vbroadcast v12, $0x0;
	[tilespmem:s31+$0x80] =	vst v5;
	v5 =	vmul.f32 v7, v2;
	v7 =	vld [tilespmem:s31+$0x180]  }
0x12b: {  	v15 =	vand.u32 $0xFFFFFFFC, v16;
	v13 =	vbroadcast v13, $0x0;
	[tilespmem:s31+$0x90] =	vst v3;
	v2 =	vmul.f32 v8, v2;
	v3 =	vld [tilespmem:s31+$0x190]  }
0x12c: {  	s1 =	sadd.s32 $0xD6, s0;
	s0 =	sadd.s32 $0x8, s0;
	v8 =	vbroadcast v14, $0x0;
	v14 =	vand.u32 $0xFFFFFFFD, v17;
	[tilespmem:s31+$0xA0] =	vst v5;
	v4 =	vmul.f32 v4, v1;
	v5 =	vld [tilespmem:s31+$0x1A0]  }
0x12d: {  	v16 =	vmov s1;
	p0 =	slt.u32 s0, $0xC0;
	v15 =	vbroadcast v15, $0x0;
	[tilespmem:s31+$0xB0] =	vst v2;
	v2 =	vmul.f32 v9, v1;
	v9 =	vld [tilespmem:s31+$0x1B0]  }
0x12e: {  	v16 =	vand.u32 $0xFFFFFFFE, v16;
	v14 =	vbroadcast v14, $0x0;
	v11 =	vld.idx.msk [tilespmem:v11+s25+$0x0], $0xffff;
	[tilespmem:s31+$0x100] =	vst v4;
	v1 =	vmul.f32 v10, v1  }
0x12f: {  	v10 =	vbroadcast v16, $0x0;
	v6 =	vld.idx.msk [tilespmem:v6+s25+$0x0], $0xffff;
	[tilespmem:s31+$0x110] =	vst v2;
	v2 =	vmul.f32 v7, v0  }
0x130: {  	v7 =	vld.idx.msk [tilespmem:v12+s25+$0x0], $0xffff;
	[tilespmem:s31+$0x120] =	vst v1;
	v1 =	vmul.f32 v3, v0  }
0x131: {  	v12 =	vld.idx.msk [tilespmem:v13+s25+$0x0], $0xffff;
	[tilespmem:s31+$0x180] =	vst v2;
	v2 =	vmul.f32 v5, v0  }
0x132: {  	v4 =	vld.idx.msk [tilespmem:v8+s25+$0x0], $0xffff;
	[tilespmem:s31+$0x190] =	vst v1;
	v1 =	vmul.f32 v9, v0  }
0x133: {  	v3 =	vld.idx.msk [tilespmem:v15+s25+$0x0], $0xffff;
	[tilespmem:s31+$0x1A0] =	vst v2  }
0x134: {  	v0 =	vmov v11;
	v2 =	vld.idx.msk [tilespmem:v14+s25+$0x0], $0xffff;
	[tilespmem:s31+$0x1B0] =	vst v1  }
0x135: {  	s31 =	sadd.s32 $0x400, s31;
	v1 =	vld.idx.msk [tilespmem:v10+s25+$0x0], $0xffff  }
0x136: {  	v5 =	vld [tilespmem:s31+$0x130]  }
0x137: {  	v8 =	vld [tilespmem:s31+$0xFFFFFE00]  }
0x138: {  	v9 =	vld [tilespmem:s31+$0xFFFFFE10]  }
0x139: {  	v10 =	vld [tilespmem:s31+$0xFFFFFE20]  }
0x13a: {  	v11 =	vld [tilespmem:s31+$0xFFFFFE30]  }
0x13b: {  	v13 =	vld [tilespmem:s31+$0xFFFFFE80];
	v5 =	vmul.f32 v5, v1  }
0x13c: {  	v8 =	vmul.f32 v8, v6;
	v14 =	vld [tilespmem:s31+$0xFFFFFE90]  }
0x13d: {  	v9 =	vmul.f32 v9, v6;
	v15 =	vld [tilespmem:s31+$0xFFFFFEA0];
	[tilespmem:s31+$0x130] =	vst v5  }
0x13e: {  	[tilespmem:s31+$0xFFFFFE00] =	vst v8;
	v5 =	vmul.f32 v10, v6;
	v8 =	vld [tilespmem:s31+$0xFFFFFEB0]  }
0x13f: {  	[tilespmem:s31+$0xFFFFFE10] =	vst v9;
	v6 =	vmul.f32 v11, v6;
	v9 =	vld [tilespmem:s31+$0xFFFFFF00]  }
0x140: {  	[tilespmem:s31+$0xFFFFFE20] =	vst v5;
	v5 =	vmul.f32 v13, v7;
	v10 =	vld [tilespmem:s31+$0xFFFFFF10]  }
0x141: {  	[tilespmem:s31+$0xFFFFFE30] =	vst v6;
	v6 =	vmul.f32 v14, v7;
	v11 =	vld [tilespmem:s31+$0xFFFFFF20]  }
0x142: {  	[tilespmem:s31+$0xFFFFFE80] =	vst v5;
	v5 =	vmul.f32 v15, v7;
	v13 =	vld [tilespmem:s31+$0xFFFFFF30]  }
0x143: {  	[tilespmem:s31+$0xFFFFFE90] =	vst v6;
	v6 =	vmul.f32 v8, v7;
	v7 =	vld [tilespmem:s31+$0xFFFFFF80]  }
0x144: {  	[tilespmem:s31+$0xFFFFFEA0] =	vst v5;
	v5 =	vmul.f32 v9, v12;
	v14 =	vld [tilespmem:s31+$0xFFFFFF90]  }
0x145: {  	[tilespmem:s31+$0xFFFFFEB0] =	vst v6;
	v6 =	vmul.f32 v10, v12;
	v10 =	vld [tilespmem:s31+$0xFFFFFFA0]  }
.Ltmp4:
0x146: {  	[tilespmem:s31+$0xFFFFFF00] =	vst v5;
	v5 =	vmul.f32 v11, v12;
	v9 =	vld [tilespmem:s31+$0xFFFFFFB0];
	(pc) =	sbr.rel @p0 .LBB2_7-.Ltmp4, $4  }
0x147: {  	[tilespmem:s31+$0xFFFFFF10] =	vst v6;
	v6 =	vmul.f32 v13, v12;
	v8 =	vld [tilespmem:s31+$0x0]  }
0x148: {  	[tilespmem:s31+$0xFFFFFF20] =	vst v5;
	v12 =	vmul.f32 v7, v4;
	v7 =	vld [tilespmem:s31+$0x10]  }
0x149: {  	[tilespmem:s31+$0xFFFFFF30] =	vst v6;
	v11 =	vmul.f32 v14, v4;
	v5 =	vld [tilespmem:s31+$0x20]  }
0x14a: {  	[tilespmem:s31+$0xFFFFFF80] =	vst v12;
	v10 =	vmul.f32 v10, v4;
	v6 =	vld [tilespmem:s31+$0x30]  }
0x14b: {  	[tilespmem:s31+$0xFFFFFF90] =	vst v11;
	v4 =	vmul.f32 v9, v4;
	v9 =	vld [tilespmem:s31+$0x80]  }
0x14c: {  	[tilespmem:s31+$0xFFFFFFA0] =	vst v10;
	v8 =	vmul.f32 v8, v3;
	v10 =	vld [tilespmem:s31+$0x90]  }
0x14d: {  	[tilespmem:s31+$0xFFFFFFB0] =	vst v4;
	v4 =	vmul.f32 v7, v3;
	v7 =	vld [tilespmem:s31+$0xA0]  }
0x14e: {  	[tilespmem:s31+$0x0] =	vst v8;
	v5 =	vmul.f32 v5, v3;
	v8 =	vld [tilespmem:s31+$0xB0]  }
0x14f: {  	[tilespmem:s31+$0x10] =	vst v4;
	v3 =	vmul.f32 v6, v3;
	v4 =	vld [tilespmem:s31+$0x100]  }
0x150: {  	v6 =	vld [tilespmem:s31+$0x110];
	[tilespmem:s31+$0x20] =	vst v5;
	v5 =	vmul.f32 v9, v2  }
0x151: {  	v9 =	vld [tilespmem:s31+$0x120];
	[tilespmem:s31+$0x30] =	vst v3;
	v3 =	vmul.f32 v10, v2  }
0x152: {  	[tilespmem:s31+$0x80] =	vst v5;
	v5 =	vmul.f32 v7, v2;
	v7 =	vld [tilespmem:s31+$0x180]  }
0x153: {  	[tilespmem:s31+$0x90] =	vst v3;
	v2 =	vmul.f32 v8, v2;
	v3 =	vld [tilespmem:s31+$0x190]  }
0x154: {  	[tilespmem:s31+$0xA0] =	vst v5;
	v4 =	vmul.f32 v4, v1;
	v5 =	vld [tilespmem:s31+$0x1A0]  }
0x155: {  	[tilespmem:s31+$0xB0] =	vst v2;
	v2 =	vmul.f32 v6, v1;
	v6 =	vld [tilespmem:s31+$0x1B0]  }
0x156: {  	v1 =	vmul.f32 v9, v1;
	[tilespmem:s31+$0x100] =	vst v4  }
0x157: {  	[tilespmem:s31+$0x110] =	vst v2;
	v2 =	vmul.f32 v7, v0  }
0x158: {  	s0 =	sadd.s32 s12, s5;
	[tilespmem:s31+$0x120] =	vst v1;
	v1 =	vmul.f32 v3, v0  }
0x159: {  	s0 =	smul.u32 $0xC80, s0;
	[tilespmem:s31+$0x180] =	vst v2;
	v2 =	vmul.f32 v5, v0  }
0x15a: {  	[tilespmem:s31+$0x190] =	vst v1;
	v0 =	vmul.f32 v6, v0  }
0x15b: {  	s0 =	sadd.s32 s9, s0;
	[tilespmem:s31+$0x1A0] =	vst v2  }
0x15c: {  	p0 =	seq.s32 s11, $0x1F;
	s0 =	sadd.s32 $0xC80, s0;
	[tilespmem:s31+$0x1B0] =	vst v0  }
0x15d: {  	[hbm4b:s0+s4] =	stream.linear.scatter [tilespmem:s20], [sflag:$0x6], $0x6400, $0x38;
	[tilespmem:$0x19700] =	vst v63  }
0x15e: {  	s1 =	sadd.s32 @!p0 s12, s13;
	s0 =	simm.s32 @!p0 $0x5  }
0x15f: {  	s10 =	sor.u32 $0x2, s10;
	s1 =	smul.u32 @!p0 $0xC80, s1;
	_ =	swait.ge @!p0 [sflag:s0], $0x6400  }
0x160: {  	s6 =	simm.s32 @!p0 $0x700;
	s19 =	smul.u32 $0x19, s10;
	[sflag:s0] =	ssyncset.done @!p0 $0x0  }
0x161: {  	[sflag:s0] =	ssyncadd.s32 @!p0 $0xFFFF9C00;
	s0 =	sadd.s32 @!p0 s8, s1;
	s1 =	simm.s32 @!p0 $0x0  }
0x162: {  	[tilespmem:s6], [sflag:$0x1] =	stream.linear.gather @!p0 [hbm4b:s0+s1], $0x6400, $0x38;
	[tilespmem:$0x19700] =	vst v63  }
0x163: {  	s6 =	sadd.s32 s3, s19  }
0x164: {  	[tilespmem:s22], [sflag:$0x9] =	stream.linear.gather [hbm4b:s6+s4], $0x190, $0x38;
	[tilespmem:$0x19700] =	vst v63  }
0x165: {  	_ =	swait.ge [sflag:s17], $0x190  }
0x166: {  	[sflag:s17] =	ssyncset.done $0x0  }
0x167: {  	s1 =	sadd.s32 s7, s19;
	[sflag:s17] =	ssyncadd.s32 $0xFFFFFE70  }
0x168: {  	[tilespmem:s23], [sflag:$0x9] =	stream.linear.gather [hbm4b:s1+s4], $0x190, $0x38;
	[tilespmem:$0x19700] =	vst v63  }
0x169: {  	_ =	swait.ge [sflag:s17], $0x190  }
0x16a: {  	[sflag:s17] =	ssyncset.done $0x0  }
0x16b: {  	[sflag:s17] =	ssyncadd.s32 $0xFFFFFE70  }
0x16c: {  	v0 =	vld [tilespmem:$0x0]  }
0x16d: {  	s6 =	simm.s32 $0x120  }
0x16e: {  	s19 =	simm.s32 $0x320;
	v1 =	vld [tilespmem:s6+$0x20]  }
0x16f: {  	v3 =	vld [tilespmem:s19+$0x20]  }
0x170: {  	v2 =	vld [tilespmem:s6+$0xFFFFFFF0]  }
0x171: {  	v5 =	vld [tilespmem:s19+$0xFFFFFFE0];
	v0 =	vsub.f32 $0.0e+00, v0  }
0x172: {  	v4 =	vld [tilespmem:s6+$0x0]  }
0x173: {  	v6 =	vld [tilespmem:s6+$0x10];
	v1 =	vmul.f32 v1, v0  }
0x174: {  	v7 =	vld [tilespmem:s6+$0xFFFFFFE0]  }
0x175: {  	v8 =	vld [tilespmem:s19+$0xFFFFFFF0];
	v1 =	vmul.f32 $1.442695020e+00, v1  }
0x176: {  	v9 =	vld [tilespmem:s19+$0x0]  }
0x177: {  	v2 =	vmul.f32 v2, v0;
	(erf) = vpow2.f32 v1;
	v1 =	vld.idx.msk [tilespmem:v3+s18+$0x0], $0xffff  }
0x178: {  	v3 =	vmul.f32 v4, v0;
	v4 =	vld [tilespmem:$0x0]  }
0x179: {  	s0 =	simm.s32 $0x170;
	v7 =	vmul.f32 v0, v7;
	v12 =	vld.idx.msk [tilespmem:v5+s18+$0x0], $0xffff;
	v2 =	vmul.f32 $1.442695020e+00, v2  }
0x17a: {  	v5 =	vld [tilespmem:s0+$0x20];
	v0 =	vmul.f32 v6, v0;
	v3 =	vmul.f32 $1.442695020e+00, v3  }
0x17b: {  	v6 =	vmul.f32 $1.442695020e+00, v7;
	(erf) = vpow2.f32 v2;
	v2 =	vld [tilespmem:s0+$0xFFFFFFF0]  }
0x17c: {  	v7 =	vld [tilespmem:s0+$0x0];
	(erf) = vpow2.f32 v3  }
0x17d: {  	v11 =	vld [tilespmem:s0+$0xFFFFFFE0];
	v0 =	vmul.f32 $1.442695020e+00, v0;
	(erf) = vpow2.f32 v6;
	v4 =	vsub.f32 $0.0e+00, v4  }
0x17e: {  	v6 =	vld [tilespmem:s0+$0x10]  }
0x17f: {  	s31 =	simm.s32 $0x370;
	v10 =	vld [tilespmem:s19+$0x10];
	(erf) = vpow2.f32 v0;
	v5 =	vmul.f32 v5, v4  }
0x180: {  	v13 =	vld [tilespmem:s31+$0x20];
	v2 =	vmul.f32 v2, v4  }
0x181: {  	v3 =	vld [tilespmem:s31+$0xFFFFFFE0];
	v7 =	vmul.f32 v7, v4;
	v0 =	vpop (erf);
	v5 =	vmul.f32 $1.442695020e+00, v5  }
0x182: {  	v15 =	vmul.f32 $1.442695020e+00, v2;
	v14 =	vmul.f32 v0, v1;
	v0 =	vld [tilespmem:s31+$0xFFFFFFF0]  }
0x183: {  	v11 =	vmul.f32 v4, v11;
	v1 =	vld [tilespmem:s31+$0x0];
	v16 =	vmul.f32 v6, v4  }
0x184: {  	v6 =	vld [tilespmem:s31+$0x10];
	v2 =	vpop (erf);
	(erf) = vpow2.f32 v5;
	v5 =	vmul.f32 $1.442695020e+00, v7  }
0x185: {  	v17 =	vmul.f32 $1.442695020e+00, v11;
	v7 =	vld.idx.msk [tilespmem:v8+s18+$0x0], $0xffff;
	v4 =	vpop (erf)  }
0x186: {  	v8 =	vld.idx.msk [tilespmem:v9+s18+$0x0], $0xffff;
	(erf) = vpow2.f32 v15;
	v11 =	vmul.f32 $1.442695020e+00, v16;
	v15 =	vpop (erf)  }
0x187: {  	s1 =	simm.s32 $0x520;
	v9 =	vld.idx.msk [tilespmem:v10+s18+$0x0], $0xffff;
	(erf) = vpow2.f32 v5;
	v12 =	vmul.f32 v15, v12  }
0x188: {  	s6 =	simm.s32 $0x5;
	v10 =	vld.idx.msk [tilespmem:v13+s18+$0x0], $0xffff;
	[tilespmem:s1+$0x20] =	vst v14;
	(erf) = vpow2.f32 v17;
	v5 =	vpop (erf)  }
.LBB2_9:
0x189: {  	v13 =	vld [tilespmem:$0x0];
	s6 =	sadd.s32 $0x5, s6;
	(erf) = vpow2.f32 v11;
	[tilespmem:s1+$0xFFFFFFE0] =	vst v12;
	v14 =	vmov v6  }
0x18a: {  	s0 =	sadd.s32 $0x50, s0;
	p1 =	slt.u32 s6, $0x14;
	v12 =	vld.idx.msk [tilespmem:v3+s18+$0x0], $0xffff  }
0x18b: {  	v2 =	vmul.f32 v2, v7;
	v3 =	vld [tilespmem:s0+$0x20]  }
0x18c: {  	v4 =	vmul.f32 v4, v8;
	v6 =	vld [tilespmem:s0+$0xFFFFFFF0]  }
0x18d: {  	v5 =	vmul.f32 v5, v9;
	v7 =	vld [tilespmem:s0+$0x0];
	v8 =	vpop (erf);
	[tilespmem:s1+$0xFFFFFFF0] =	vst v2  }
0x18e: {  	v9 =	vsub.f32 $0.0e+00, v13;
	v11 =	vld [tilespmem:s0+$0x10];
	v8 =	vmul.f32 v8, v10;
	[tilespmem:s1+$0x0] =	vst v4  }
0x18f: {  	s31 =	sadd.s32 $0x50, s31;
	v10 =	vld [tilespmem:s0+$0xFFFFFFE0];
	v2 =	vpop (erf);
	[tilespmem:s1+$0x10] =	vst v5;
	s1 =	sadd.s32 $0x50, s1  }
0x190: {  	v13 =	vld [tilespmem:s31+$0x20];
	v17 =	vmul.f32 v3, v9;
	[tilespmem:s1+$0x20] =	vst v8;
	v4 =	vpop (erf)  }
0x191: {  	v3 =	vld [tilespmem:s31+$0xFFFFFFE0];
	v6 =	vmul.f32 v6, v9;
	v15 =	vpop (erf)  }
0x192: {  	v16 =	vld [tilespmem:s31+$0xFFFFFFF0];
	v7 =	vmul.f32 v7, v9;
	v8 =	vmul.f32 $1.442695020e+00, v17;
	v5 =	vpop (erf)  }
0x193: {  	v17 =	vmul.f32 $1.442695020e+00, v6;
	v18 =	vld [tilespmem:s31+$0x0];
	v11 =	vmul.f32 v11, v9  }
.Ltmp5:
0x194: {  	v9 =	vmul.f32 v9, v10;
	v6 =	vld [tilespmem:s31+$0x10];
	(erf) = vpow2.f32 v8;
	(pc) =	sbr.rel @p1 .LBB2_9-.Ltmp5, $4  }
0x195: {  	v10 =	vmul.f32 $1.442695020e+00, v7;
	v11 =	vmul.f32 $1.442695020e+00, v11;
	v7 =	vld.idx.msk [tilespmem:v0+s18+$0x0], $0xffff  }
0x196: {  	v19 =	vmul.f32 $1.442695020e+00, v9;
	(erf) = vpow2.f32 v17;
	v8 =	vld.idx.msk [tilespmem:v1+s18+$0x0], $0xffff  }
0x197: {  	v12 =	vmul.f32 v15, v12;
	(erf) = vpow2.f32 v10;
	v9 =	vld.idx.msk [tilespmem:v14+s18+$0x0], $0xffff;
	v0 =	vmov v16  }
0x198: {  	v10 =	vld.idx.msk [tilespmem:v13+s18+$0x0], $0xffff;
	(erf) = vpow2.f32 v19;
	v1 =	vmov v18  }
0x199: {  	_ =	sdelay $0x1  }
0x19a: {  	(erf) = vpow2.f32 v11;
	_ =	sdelay $0x1  }
0x19b: {  	v0 =	vld.idx.msk [tilespmem:v0+s18+$0x0], $0xffff  }
0x19c: {  	v3 =	vld.idx.msk [tilespmem:v3+s18+$0x0], $0xffff;
	v2 =	vmul.f32 v2, v7;
	v4 =	vmul.f32 v4, v8  }
0x19d: {  	v1 =	vld.idx.msk [tilespmem:v1+s18+$0x0], $0xffff;
	[tilespmem:s1+$0xFFFFFFE0] =	vst v12;
	v7 =	vpop (erf)  }
0x19e: {  	v6 =	vld.idx.msk [tilespmem:v6+s18+$0x0], $0xffff;
	[tilespmem:s1+$0xFFFFFFF0] =	vst v2;
	v2 =	vmul.f32 v5, v9;
	v8 =	vpop (erf)  }
0x19f: {  	[tilespmem:s1+$0x0] =	vst v4;
	v7 =	vmul.f32 v7, v10;
	v5 =	vpop (erf)  }
0x1a0: {  	s0 =	sadd.s32 $0x50, s1;
	[tilespmem:s1+$0x10] =	vst v2;
	v0 =	vmul.f32 v8, v0;
	v4 =	vpop (erf)  }
0x1a1: {  	[tilespmem:s0+$0x20] =	vst v7;
	v2 =	vmul.f32 v4, v3  }
0x1a2: {  	s19 =	simm.s32 $0x0;
	s6 =	simm.s32 $0x1;
	v1 =	vmul.f32 v5, v1;
	v3 =	vpop (erf);
	[tilespmem:s0+$0xFFFFFFF0] =	vst v0  }
0x1a3: {  	s1 =	simm.s32 $0x7;
	v4 =	vmov s6;
	[tilespmem:s0+$0xFFFFFFE0] =	vst v2;
	v2 =	vmul.f32 v3, v6;
	v3 =	vmov s19;
	s19 =	simm.s32 $0x2  }
0x1a4: {  	s6 =	simm.s32 $0x3;
	[tilespmem:s0+$0x0] =	vst v1;
	v0 =	vand.u32 $0xFFFFFFF8, v3;
	v3 =	vmov s1;
	v1 =	vmov s19  }
0x1a5: {  	s19 =	simm.s32 $0x4;
	v5 =	vbroadcast v0, $0x0;
	v0 =	vand.u32 $0xFFFFFFF9, v4;
	[tilespmem:s0+$0x10] =	vst v2;
	v2 =	vmov s6  }
0x1a6: {  	s1 =	simm.s32 $0x5;
	v1 =	vand.u32 $0xFFFFFFFA, v1;
	v4 =	vbroadcast v0, $0x0;
	_ =	swait.ge [sflag:s29], $0x6400;
	v0 =	vmov s19  }
0x1a7: {  	v6 =	vmov s1;
	s6 =	simm.s32 $0x6;
	v1 =	vbroadcast v1, $0x0;
	[sflag:s29] =	ssyncset.done $0x0;
	v0 =	vand.u32 $0xFFFFFFFC, v0  }
0x1a8: {  	v6 =	vand.u32 $0xFFFFFFFD, v6;
	[sflag:s29] =	ssyncadd.s32 $0xFFFF9C00;
	v7 =	vbroadcast v0, $0x0;
	v0 =	vmov s6  }
0x1a9: {  	s31 =	simm.s32 $0xD100;
	v6 =	vbroadcast v6, $0x0;
	v8 =	vand.u32 $0xFFFFFFFE, v0;
	v0 =	vld.idx.msk [tilespmem:v3+s25+$0x0], $0xffff  }
0x1aa: {  	v9 =	vld [tilespmem:s31+$0xFFFFFE10]  }
0x1ab: {  	v3 =	vld.idx.msk [tilespmem:v5+s25+$0x0], $0xffff;
	v5 =	vbroadcast v8, $0x0  }
0x1ac: {  	v11 =	vld [tilespmem:s31+$0xFFFFFE20]  }
0x1ad: {  	v12 =	vld [tilespmem:s31+$0xFFFFFE30]  }
0x1ae: {  	v8 =	vld.idx.msk [tilespmem:v1+s25+$0x0], $0xffff  }
0x1af: {  	v10 =	vld.idx.msk [tilespmem:v6+s25+$0x0], $0xffff  }
0x1b0: {  	v2 =	vand.u32 $0xFFFFFFFB, v2;
	v6 =	vld [tilespmem:s31+$0xFFFFFE00]  }
0x1b1: {  	v2 =	vbroadcast v2, $0x0;
	v1 =	vld.idx.msk [tilespmem:v5+s25+$0x0], $0xffff  }
0x1b2: {  	v5 =	vld [tilespmem:s31+$0x130]  }
0x1b3: {  	v13 =	vld [tilespmem:s31+$0xFFFFFE80]  }
0x1b4: {  	v14 =	vld [tilespmem:s31+$0xFFFFFE90]  }
0x1b5: {  	v15 =	vld [tilespmem:s31+$0xFFFFFEA0]  }
0x1b6: {  	v4 =	vld.idx.msk [tilespmem:v4+s25+$0x0], $0xffff;
	v6 =	vmul.f32 v6, v3  }
0x1b7: {  	v2 =	vld.idx.msk [tilespmem:v2+s25+$0x0], $0xffff;
	v5 =	vmul.f32 v5, v1  }
0x1b8: {  	v7 =	vld.idx.msk [tilespmem:v7+s25+$0x0], $0xffff;
	v9 =	vmul.f32 v9, v3;
	[tilespmem:s31+$0xFFFFFE00] =	vst v6  }
0x1b9: {  	v6 =	vld [tilespmem:s31+$0xFFFFFEB0];
	[tilespmem:s31+$0x130] =	vst v5;
	v5 =	vmul.f32 v11, v3  }
0x1ba: {  	[tilespmem:s31+$0xFFFFFE10] =	vst v9;
	v9 =	vld [tilespmem:s31+$0xFFFFFF00];
	v3 =	vmul.f32 v12, v3  }
0x1bb: {  	v11 =	vld [tilespmem:s31+$0xFFFFFF10];
	[tilespmem:s31+$0xFFFFFE20] =	vst v5;
	v5 =	vmul.f32 v13, v4  }
0x1bc: {  	v12 =	vld [tilespmem:s31+$0xFFFFFF20];
	[tilespmem:s31+$0xFFFFFE30] =	vst v3;
	v3 =	vmul.f32 v14, v4  }
0x1bd: {  	v13 =	vld [tilespmem:s31+$0xFFFFFF30];
	[tilespmem:s31+$0xFFFFFE80] =	vst v5;
	v5 =	vmul.f32 v15, v4  }
0x1be: {  	[tilespmem:s31+$0xFFFFFE90] =	vst v3;
	v3 =	vmul.f32 v6, v4;
	v4 =	vld [tilespmem:s31+$0xFFFFFF80]  }
0x1bf: {  	v6 =	vld [tilespmem:s31+$0xFFFFFF90];
	[tilespmem:s31+$0xFFFFFEA0] =	vst v5;
	v5 =	vmul.f32 v9, v8  }
0x1c0: {  	[tilespmem:s31+$0xFFFFFEB0] =	vst v3;
	v3 =	vmul.f32 v11, v8;
	v9 =	vld [tilespmem:s31+$0xFFFFFFA0]  }
0x1c1: {  	v11 =	vld [tilespmem:s31+$0xFFFFFFB0];
	[tilespmem:s31+$0xFFFFFF00] =	vst v5;
	v5 =	vmul.f32 v12, v8  }
0x1c2: {  	[tilespmem:s31+$0xFFFFFF10] =	vst v3;
	v3 =	vmul.f32 v13, v8;
	v8 =	vld [tilespmem:s31+$0x0]  }
0x1c3: {  	v13 =	vld [tilespmem:s31+$0xA0];
	v4 =	vmul.f32 v4, v2;
	[tilespmem:s31+$0xFFFFFF20] =	vst v5  }
0x1c4: {  	v5 =	vld [tilespmem:s31+$0x10];
	[tilespmem:s31+$0xFFFFFF30] =	vst v3;
	v3 =	vmul.f32 v6, v2  }
0x1c5: {  	v6 =	vld [tilespmem:s31+$0x20];
	[tilespmem:s31+$0xFFFFFF80] =	vst v4;
	v4 =	vmul.f32 v9, v2  }
0x1c6: {  	v9 =	vld [tilespmem:s31+$0x30];
	v2 =	vmul.f32 v11, v2;
	[tilespmem:s31+$0xFFFFFF90] =	vst v3  }
0x1c7: {  	v11 =	vld [tilespmem:s31+$0x80];
	[tilespmem:s31+$0xFFFFFFA0] =	vst v4;
	v4 =	vmul.f32 v8, v7  }
0x1c8: {  	s19 =	simm.s32 $0x8;
	s6 =	simm.s32 $0x9;
	v8 =	vld [tilespmem:s31+$0x90];
	[tilespmem:s31+$0xFFFFFFB0] =	vst v2;
	v13 =	vmul.f32 v13, v10  }
0x1c9: {  	v16 =	vld [tilespmem:s31+$0xB0];
	v14 =	vmov s6;
	s6 =	simm.s32 $0xC;
	v3 =	vmov s19;
	v2 =	vmul.f32 v5, v7;
	[tilespmem:s31+$0x0] =	vst v4  }
0x1ca: {  	s1 =	simm.s32 $0xF;
	v19 =	vld [tilespmem:s31+$0x100];
	v18 =	vmov s6;
	s19 =	simm.s32 $0xA;
	v12 =	vand.u32 $0xFFFFFFF8, v3;
	v5 =	vmul.f32 v6, v7;
	[tilespmem:s31+$0xA0] =	vst v13  }
0x1cb: {  	v3 =	vmov s1;
	v15 =	vmov s19;
	s1 =	simm.s32 $0xB;
	s19 =	simm.s32 $0xD;
	[tilespmem:s31+$0x10] =	vst v2;
	v2 =	vmul.f32 v9, v7  }
0x1cc: {  	v17 =	vmov s1;
	v20 =	vmov s19;
	[tilespmem:s31+$0x20] =	vst v5;
	v7 =	vmul.f32 v11, v10;
	v5 =	vld [tilespmem:s31+$0x110]  }
0x1cd: {  	v4 =	vbroadcast v12, $0x0;
	v6 =	vld [tilespmem:s31+$0x120];
	v9 =	vand.u32 $0xFFFFFFF9, v14;
	[tilespmem:s31+$0x30] =	vst v2;
	v2 =	vmul.f32 v8, v10  }
0x1ce: {  	v12 =	vmul.f32 v16, v10;
	v11 =	vand.u32 $0xFFFFFFFA, v15;
	v8 =	vbroadcast v9, $0x0;
	[tilespmem:s31+$0x80] =	vst v7;
	v7 =	vld [tilespmem:s31+$0x180]  }
0x1cf: {  	v13 =	vmul.f32 v19, v1;
	v15 =	vand.u32 $0xFFFFFFFB, v17;
	v9 =	vbroadcast v11, $0x0;
	[tilespmem:s31+$0x90] =	vst v2;
	v2 =	vld [tilespmem:s31+$0x190]  }
0x1d0: {  	s0 =	simm.s32 $0x10;
	s1 =	simm.s32 $0xE;
	v14 =	vand.u32 $0xFFFFFFFC, v18;
	v11 =	vbroadcast v15, $0x0;
	v15 =	vand.u32 $0xFFFFFFFD, v20;
	v10 =	vld [tilespmem:s31+$0x1A0]  }
.LBB2_11:
0x1d1: {  	p1 =	slt.u32 s0, $0xC0;
	v14 =	vbroadcast v14, $0x0;
	v16 =	vmov s1;
	[tilespmem:s31+$0xB0] =	vst v12;
	v5 =	vmul.f32 v5, v1;
	v12 =	vld [tilespmem:s31+$0x1B0]  }
0x1d2: {  	v15 =	vbroadcast v15, $0x0;
	v16 =	vand.u32 $0xFFFFFFFE, v16;
	v3 =	vld.idx.msk [tilespmem:v3+s25+$0x0], $0xffff;
	[tilespmem:s31+$0x100] =	vst v13;
	v1 =	vmul.f32 v6, v1  }
0x1d3: {  	v4 =	vld.idx.msk [tilespmem:v4+s25+$0x0], $0xffff;
	v6 =	vbroadcast v16, $0x0;
	[tilespmem:s31+$0x110] =	vst v5;
	v5 =	vmul.f32 v7, v0  }
0x1d4: {  	v7 =	vld.idx.msk [tilespmem:v8+s25+$0x0], $0xffff;
	[tilespmem:s31+$0x120] =	vst v1;
	v1 =	vmul.f32 v2, v0  }
0x1d5: {  	v8 =	vld.idx.msk [tilespmem:v9+s25+$0x0], $0xffff;
	[tilespmem:s31+$0x180] =	vst v5;
	v2 =	vmul.f32 v10, v0  }
0x1d6: {  	v5 =	vld.idx.msk [tilespmem:v11+s25+$0x0], $0xffff;
	[tilespmem:s31+$0x190] =	vst v1;
	v1 =	vmul.f32 v12, v0  }
0x1d7: {  	v9 =	vld.idx.msk [tilespmem:v14+s25+$0x0], $0xffff;
	[tilespmem:s31+$0x1A0] =	vst v2  }
0x1d8: {  	v0 =	vmov v3;
	v2 =	vld.idx.msk [tilespmem:v15+s25+$0x0], $0xffff;
	[tilespmem:s31+$0x1B0] =	vst v1  }
0x1d9: {  	s31 =	sadd.s32 $0x400, s31;
	v1 =	vld.idx.msk [tilespmem:v6+s25+$0x0], $0xffff  }
0x1da: {  	v3 =	vld [tilespmem:s31+$0x130]  }
0x1db: {  	v6 =	vld [tilespmem:s31+$0xFFFFFE00]  }
0x1dc: {  	v10 =	vld [tilespmem:s31+$0xFFFFFE10]  }
0x1dd: {  	v11 =	vld [tilespmem:s31+$0xFFFFFE20]  }
0x1de: {  	v12 =	vld [tilespmem:s31+$0xFFFFFE30]  }
0x1df: {  	v13 =	vld [tilespmem:s31+$0xFFFFFE80];
	v3 =	vmul.f32 v3, v1  }
0x1e0: {  	v6 =	vmul.f32 v6, v4;
	v14 =	vld [tilespmem:s31+$0xFFFFFE90]  }
0x1e1: {  	v10 =	vmul.f32 v10, v4;
	v15 =	vld [tilespmem:s31+$0xFFFFFEA0];
	[tilespmem:s31+$0x130] =	vst v3  }
0x1e2: {  	[tilespmem:s31+$0xFFFFFE00] =	vst v6;
	v3 =	vmul.f32 v11, v4;
	v6 =	vld [tilespmem:s31+$0xFFFFFEB0]  }
0x1e3: {  	[tilespmem:s31+$0xFFFFFE10] =	vst v10;
	v4 =	vmul.f32 v12, v4;
	v10 =	vld [tilespmem:s31+$0xFFFFFF00]  }
0x1e4: {  	[tilespmem:s31+$0xFFFFFE20] =	vst v3;
	v3 =	vmul.f32 v13, v7;
	v11 =	vld [tilespmem:s31+$0xFFFFFF10]  }
0x1e5: {  	[tilespmem:s31+$0xFFFFFE30] =	vst v4;
	v4 =	vmul.f32 v14, v7;
	v12 =	vld [tilespmem:s31+$0xFFFFFF20]  }
0x1e6: {  	[tilespmem:s31+$0xFFFFFE80] =	vst v3;
	v3 =	vmul.f32 v15, v7;
	v13 =	vld [tilespmem:s31+$0xFFFFFF30]  }
0x1e7: {  	[tilespmem:s31+$0xFFFFFE90] =	vst v4;
	v4 =	vmul.f32 v6, v7;
	v6 =	vld [tilespmem:s31+$0xFFFFFF80]  }
0x1e8: {  	[tilespmem:s31+$0xFFFFFEA0] =	vst v3;
	v3 =	vmul.f32 v10, v8;
	v7 =	vld [tilespmem:s31+$0xFFFFFF90]  }
0x1e9: {  	[tilespmem:s31+$0xFFFFFEB0] =	vst v4;
	v4 =	vmul.f32 v11, v8;
	v10 =	vld [tilespmem:s31+$0xFFFFFFA0]  }
0x1ea: {  	[tilespmem:s31+$0xFFFFFF00] =	vst v3;
	v3 =	vmul.f32 v12, v8;
	v11 =	vld [tilespmem:s31+$0xFFFFFFB0]  }
0x1eb: {  	[tilespmem:s31+$0xFFFFFF10] =	vst v4;
	v4 =	vmul.f32 v13, v8;
	v8 =	vld [tilespmem:s31+$0x0]  }
0x1ec: {  	[tilespmem:s31+$0xFFFFFF20] =	vst v3;
	v3 =	vmul.f32 v6, v5;
	v6 =	vld [tilespmem:s31+$0x10]  }
0x1ed: {  	[tilespmem:s31+$0xFFFFFF30] =	vst v4;
	v4 =	vmul.f32 v7, v5;
	v7 =	vld [tilespmem:s31+$0x20]  }
0x1ee: {  	[tilespmem:s31+$0xFFFFFF80] =	vst v3;
	v3 =	vmul.f32 v10, v5;
	v10 =	vld [tilespmem:s31+$0x30]  }
0x1ef: {  	[tilespmem:s31+$0xFFFFFF90] =	vst v4;
	v4 =	vmul.f32 v11, v5;
	v5 =	vld [tilespmem:s31+$0x80]  }
0x1f0: {  	s1 =	sadd.s32 $0x7, s0;
	v11 =	vmov s0;
	[tilespmem:s31+$0xFFFFFFA0] =	vst v3;
	v8 =	vmul.f32 v8, v9;
	v12 =	vld [tilespmem:s31+$0x90]  }
0x1f1: {  	s6 =	sadd.s32 $0x1, s0;
	s19 =	sadd.s32 $0x2, s0;
	v11 =	vand.u32 $0xFFFFFFF8, v11;
	v3 =	vmov s1;
	[tilespmem:s31+$0xFFFFFFB0] =	vst v4;
	v4 =	vmul.f32 v6, v9;
	v13 =	vld [tilespmem:s31+$0xA0]  }
0x1f2: {  	v14 =	vmov s19;
	s1 =	sadd.s32 $0x3, s0;
	v6 =	vmov s6;
	s6 =	sadd.s32 $0x4, s0;
	[tilespmem:s31+$0x0] =	vst v8;
	v7 =	vmul.f32 v7, v9;
	v15 =	vld [tilespmem:s31+$0xB0]  }
0x1f3: {  	v16 =	vmov s1;
	s1 =	sadd.s32 $0x5, s0;
	v17 =	vmov s6;
	[tilespmem:s31+$0x10] =	vst v4;
	v8 =	vmul.f32 v10, v9;
	v10 =	vld [tilespmem:s31+$0x100]  }
.Ltmp6:
0x1f4: {  	v18 =	vmov s1;
	v4 =	vbroadcast v11, $0x0;
	[tilespmem:s31+$0x20] =	vst v7;
	v7 =	vmul.f32 v5, v2;
	v5 =	vld [tilespmem:s31+$0x110];
	(pc) =	sbr.rel @p1 .LBB2_11-.Ltmp6, $4  }
0x1f5: {  	v9 =	vand.u32 $0xFFFFFFF9, v6;
	v11 =	vand.u32 $0xFFFFFFFA, v14;
	[tilespmem:s31+$0x30] =	vst v8;
	v12 =	vmul.f32 v12, v2;
	v6 =	vld [tilespmem:s31+$0x120]  }
0x1f6: {  	v16 =	vand.u32 $0xFFFFFFFB, v16;
	v8 =	vbroadcast v9, $0x0;
	[tilespmem:s31+$0x80] =	vst v7;
	v13 =	vmul.f32 v13, v2;
	v7 =	vld [tilespmem:s31+$0x180]  }
0x1f7: {  	v14 =	vand.u32 $0xFFFFFFFC, v17;
	v9 =	vbroadcast v11, $0x0;
	[tilespmem:s31+$0x90] =	vst v12;
	v12 =	vmul.f32 v15, v2;
	v2 =	vld [tilespmem:s31+$0x190]  }
0x1f8: {  	s1 =	sadd.s32 $0x6, s0;
	s0 =	sadd.s32 $0x8, s0;
	v11 =	vbroadcast v16, $0x0;
	v15 =	vand.u32 $0xFFFFFFFD, v18;
	[tilespmem:s31+$0xA0] =	vst v13;
	v13 =	vmul.f32 v10, v1;
	v10 =	vld [tilespmem:s31+$0x1A0]  }
0x1f9: {  	_ =	sdelay $0x2  }
0x1fa: {  	v17 =	vld [tilespmem:s31+$0x1B0]  }
0x1fb: {  	v3 =	vld.idx.msk [tilespmem:v3+s25+$0x0], $0xffff  }
0x1fc: {  	v16 =	vmov s1;
	v4 =	vld.idx.msk [tilespmem:v4+s25+$0x0], $0xffff  }
0x1fd: {  	v8 =	vld.idx.msk [tilespmem:v8+s25+$0x0], $0xffff;
	v16 =	vand.u32 $0xFFFFFFFE, v16  }
0x1fe: {  	v9 =	vld.idx.msk [tilespmem:v9+s25+$0x0], $0xffff;
	v16 =	vbroadcast v16, $0x0  }
0x1ff: {  	s0 =	sadd.s32 $0x400, s31;
	v11 =	vld.idx.msk [tilespmem:v11+s25+$0x0], $0xffff  }
0x200: {  	v5 =	vmul.f32 v5, v1;
	v1 =	vmul.f32 v6, v1;
	v6 =	vld [tilespmem:s0+$0x130]  }
0x201: {  	v14 =	vbroadcast v14, $0x0;
	v55 =	vld [tilespmem:s0+$0xFFFFFEA0]  }
0x202: {  	[tilespmem:s31+$0x110] =	vst v5;
	v5 =	vmul.f32 v7, v0;
	v7 =	vld [tilespmem:s0+$0xFFFFFE00]  }
0x203: {  	[tilespmem:s31+$0x120] =	vst v1;
	v1 =	vmul.f32 v2, v0;
	v2 =	vld [tilespmem:s0+$0xFFFFFE10]  }
0x204: {  	v15 =	vbroadcast v15, $0x0;
	[tilespmem:s31+$0xB0] =	vst v12;
	v54 =	vld.idx.msk [tilespmem:v16+s25+$0x0], $0xffff  }
0x205: {  	[tilespmem:s31+$0x180] =	vst v5;
	v5 =	vmul.f32 v10, v0;
	v10 =	vld [tilespmem:s0+$0xFFFFFE20]  }
0x206: {  	[tilespmem:s31+$0x190] =	vst v1;
	v0 =	vmul.f32 v17, v0;
	v1 =	vld [tilespmem:s0+$0xFFFFFE30]  }
0x207: {  	v14 =	vld.idx.msk [tilespmem:v14+s25+$0x0], $0xffff;
	[tilespmem:s31+$0x1A0] =	vst v5  }
0x208: {  	v5 =	vld [tilespmem:s0+$0xFFFFFE80];
	[tilespmem:s31+$0x1B0] =	vst v0;
	v0 =	vmul.f32 v7, v4  }
0x209: {  	[tilespmem:s31+$0x100] =	vst v13;
	v7 =	vld [tilespmem:s0+$0xFFFFFE90];
	v6 =	vmul.f32 v6, v54  }
0x20a: {  	v15 =	vld.idx.msk [tilespmem:v15+s25+$0x0], $0xffff;
	v2 =	vmul.f32 v2, v4;
	[tilespmem:s0+$0xFFFFFE00] =	vst v0  }
0x20b: {  	v0 =	vmul.f32 v10, v4;
	[tilespmem:s0+$0x130] =	vst v6;
	v6 =	vld [tilespmem:s0+$0xFFFFFEB0]  }
0x20c: {  	[tilespmem:s0+$0xFFFFFE10] =	vst v2;
	v1 =	vmul.f32 v1, v4;
	v2 =	vld [tilespmem:s0+$0xFFFFFF00]  }
0x20d: {  	v4 =	vld [tilespmem:s0+$0xFFFFFF10];
	[tilespmem:s0+$0xFFFFFE20] =	vst v0;
	v0 =	vmul.f32 v5, v8  }
0x20e: {  	v5 =	vld [tilespmem:s0+$0xFFFFFF20];
	[tilespmem:s0+$0xFFFFFE30] =	vst v1;
	v1 =	vmul.f32 v7, v8  }
0x20f: {  	v7 =	vld [tilespmem:s0+$0xFFFFFF30];
	[tilespmem:s0+$0xFFFFFE80] =	vst v0;
	v0 =	vmul.f32 v55, v8  }
0x210: {  	[tilespmem:s0+$0xFFFFFE90] =	vst v1;
	v1 =	vmul.f32 v6, v8;
	v6 =	vld [tilespmem:s0+$0xFFFFFF80]  }
0x211: {  	[tilespmem:s0+$0xFFFFFEA0] =	vst v0;
	v0 =	vmul.f32 v2, v9;
	v2 =	vld [tilespmem:s0+$0xFFFFFF90]  }
0x212: {  	[tilespmem:s0+$0xFFFFFEB0] =	vst v1;
	v1 =	vmul.f32 v4, v9;
	v4 =	vld [tilespmem:s0+$0xFFFFFFA0]  }
0x213: {  	[tilespmem:s0+$0xFFFFFF00] =	vst v0;
	v0 =	vmul.f32 v5, v9;
	v5 =	vld [tilespmem:s0+$0xFFFFFFB0]  }
0x214: {  	[tilespmem:s0+$0xFFFFFF10] =	vst v1;
	v1 =	vmul.f32 v7, v9;
	v7 =	vld [tilespmem:s0+$0x0]  }
0x215: {  	[tilespmem:s0+$0xFFFFFF20] =	vst v0;
	v0 =	vmul.f32 v6, v11;
	v6 =	vld [tilespmem:s0+$0x10]  }
0x216: {  	[tilespmem:s0+$0xFFFFFF30] =	vst v1;
	v1 =	vmul.f32 v2, v11;
	v2 =	vld [tilespmem:s0+$0x20]  }
0x217: {  	[tilespmem:s0+$0xFFFFFF80] =	vst v0;
	v0 =	vmul.f32 v4, v11;
	v4 =	vld [tilespmem:s0+$0x30]  }
0x218: {  	[tilespmem:s0+$0xFFFFFF90] =	vst v1;
	v1 =	vmul.f32 v5, v11;
	v5 =	vld [tilespmem:s0+$0x80]  }
0x219: {  	[tilespmem:s0+$0xFFFFFFA0] =	vst v0;
	v0 =	vmul.f32 v7, v14;
	v7 =	vld [tilespmem:s0+$0x90]  }
0x21a: {  	[tilespmem:s0+$0xFFFFFFB0] =	vst v1;
	v1 =	vmul.f32 v6, v14;
	v6 =	vld [tilespmem:s0+$0xA0]  }
0x21b: {  	[tilespmem:s0+$0x0] =	vst v0;
	v0 =	vmul.f32 v2, v14;
	v2 =	vld [tilespmem:s0+$0xB0]  }
0x21c: {  	[tilespmem:s0+$0x10] =	vst v1;
	v1 =	vmul.f32 v4, v14;
	v4 =	vld [tilespmem:s0+$0x100]  }
0x21d: {  	[tilespmem:s0+$0x20] =	vst v0;
	v0 =	vmul.f32 v5, v15;
	v5 =	vld [tilespmem:s0+$0x110]  }
0x21e: {  	[tilespmem:s0+$0x30] =	vst v1;
	v1 =	vmul.f32 v7, v15;
	v7 =	vld [tilespmem:s0+$0x120]  }
0x21f: {  	[tilespmem:s0+$0x80] =	vst v0;
	v0 =	vmul.f32 v6, v15;
	v6 =	vld [tilespmem:s0+$0x180]  }
0x220: {  	[tilespmem:s0+$0x90] =	vst v1;
	v1 =	vmul.f32 v2, v15;
	v2 =	vld [tilespmem:s0+$0x190]  }
0x221: {  	[tilespmem:s0+$0xA0] =	vst v0;
	v0 =	vmul.f32 v4, v54;
	v4 =	vld [tilespmem:s0+$0x1A0]  }
0x222: {  	[tilespmem:s0+$0xB0] =	vst v1;
	v1 =	vmul.f32 v5, v54;
	v5 =	vld [tilespmem:s0+$0x1B0]  }
0x223: {  	[tilespmem:s0+$0x100] =	vst v0;
	v0 =	vmul.f32 v7, v54  }
0x224: {  	[tilespmem:s0+$0x110] =	vst v1;
	v1 =	vmul.f32 v6, v3  }
0x225: {  	[tilespmem:s0+$0x120] =	vst v0;
	v0 =	vmul.f32 v2, v3  }
0x226: {  	[tilespmem:s0+$0x180] =	vst v1;
	v1 =	vmul.f32 v4, v3  }
0x227: {  	s31 =	smul.u32 $0xC80, s10;
	[tilespmem:s0+$0x190] =	vst v0;
	v0 =	vmul.f32 v5, v3  }
0x228: {  	[tilespmem:s0+$0x1A0] =	vst v1  }
0x229: {  	s1 =	sadd.s32 @!p0 s12, s14;
	s6 =	sadd.s32 s9, s31;
	[tilespmem:s0+$0x1B0] =	vst v0;
	s0 =	simm.s32 @!p0 $0x6  }
0x22a: {  	[hbm4b:s6+s4] =	stream.linear.scatter [tilespmem:s21], [sflag:$0x7], $0x6400, $0x38;
	[tilespmem:$0x19700] =	vst v63  }
0x22b: {  	s1 =	smul.u32 @!p0 $0xC80, s1;
	s10 =	simm.s32 $0xC8;
	_ =	swait.ge @!p0 [sflag:s0], $0x6400  }
0x22c: {  	s31 =	simm.s32 $0xC9;
	s6 =	simm.s32 @!p0 $0x6B00;
	[sflag:s0] =	ssyncset.done @!p0 $0x0  }
0x22d: {  	[sflag:s0] =	ssyncadd.s32 @!p0 $0xFFFF9C00;
	s0 =	sadd.s32 @!p0 s8, s1;
	s1 =	simm.s32 @!p0 $0x0  }
0x22e: {  	v2 =	vmov s31;
	v0 =	vmov s10;
	[tilespmem:s6], [sflag:$0x2] =	stream.linear.gather @!p0 [hbm4b:s0+s1], $0x6400, $0x38;
	[tilespmem:$0x19700] =	vst v63  }
0x22f: {  	s19 =	simm.s32 $0xCF;
	v2 =	vand.u32 $0xFFFFFFF9, v2;
	v0 =	vand.u32 $0xFFFFFFF8, v0;
	s1 =	simm.s32 $0xCA  }
0x230: {  	v1 =	vmov s19;
	v4 =	vbroadcast v0, $0x0;
	s6 =	simm.s32 $0xCB;
	v3 =	vmov s1  }
0x231: {  	v2 =	vbroadcast v2, $0x0;
	s10 =	simm.s32 $0xCC;
	v0 =	vmov s6;
	v3 =	vand.u32 $0xFFFFFFFA, v3  }
0x232: {  	s19 =	simm.s32 $0xCD;
	v5 =	vmov s10;
	_ =	swait.ge [sflag:s30], $0x6400;
	v0 =	vand.u32 $0xFFFFFFFB, v0;
	v3 =	vbroadcast v3, $0x0  }
0x233: {  	v6 =	vmov s19;
	v5 =	vand.u32 $0xFFFFFFFC, v5;
	[sflag:s30] =	ssyncset.done $0x0;
	v7 =	vbroadcast v0, $0x0  }
0x234: {  	s31 =	simm.s32 $0xCE;
	v5 =	vbroadcast v5, $0x0;
	[sflag:s30] =	ssyncadd.s32 $0xFFFF9C00;
	v0 =	vand.u32 $0xFFFFFFFD, v6  }
0x235: {  	v6 =	vmov s31;
	v8 =	vbroadcast v0, $0x0;
	v0 =	vld.idx.msk [tilespmem:v1+s25+$0x0], $0xffff  }
0x236: {  	v6 =	vand.u32 $0xFFFFFFFE, v6;
	v9 =	vld.idx.msk [tilespmem:v4+s25+$0x0], $0xffff  }
0x237: {  	v1 =	vbroadcast v6, $0x0;
	v6 =	vld.idx.msk [tilespmem:v2+s25+$0x0], $0xffff  }
0x238: {  	v10 =	vld.idx.msk [tilespmem:v3+s25+$0x0], $0xffff  }
0x239: {  	v4 =	vld.idx.msk [tilespmem:v7+s25+$0x0], $0xffff  }
0x23a: {  	s10 =	simm.s32 $0x13500;
	v3 =	vld.idx.msk [tilespmem:v5+s25+$0x0], $0xffff  }
0x23b: {  	v5 =	vld [tilespmem:s10+$0x130]  }
0x23c: {  	v7 =	vld [tilespmem:s10+$0xFFFFFE00]  }
0x23d: {  	v2 =	vld.idx.msk [tilespmem:v8+s25+$0x0], $0xffff  }
0x23e: {  	v1 =	vld.idx.msk [tilespmem:v1+s25+$0x0], $0xffff  }
0x23f: {  	v8 =	vld [tilespmem:s10+$0xFFFFFE10]  }
0x240: {  	v11 =	vld [tilespmem:s10+$0xFFFFFE20]  }
0x241: {  	v56 =	vld [tilespmem:s10+$0xFFFFFE30]  }
0x242: {  	v57 =	vld [tilespmem:s10+$0xFFFFFE80];
	v7 =	vmul.f32 v7, v9  }
0x243: {  	v58 =	vld [tilespmem:s10+$0xFFFFFE90];
	v5 =	vmul.f32 v5, v1  }
0x244: {  	v59 =	vld [tilespmem:s10+$0xFFFFFEA0];
	v8 =	vmul.f32 v8, v9;
	[tilespmem:s10+$0xFFFFFE00] =	vst v7  }
0x245: {  	v7 =	vld [tilespmem:s10+$0xFFFFFEB0];
	[tilespmem:s10+$0x130] =	vst v5;
	v5 =	vmul.f32 v11, v9  }
0x246: {  	[tilespmem:s10+$0xFFFFFE10] =	vst v8;
	v8 =	vmul.f32 v56, v9;
	v9 =	vld [tilespmem:s10+$0xFFFFFF00]  }
0x247: {  	v11 =	vld [tilespmem:s10+$0xFFFFFF10];
	[tilespmem:s10+$0xFFFFFE20] =	vst v5;
	v5 =	vmul.f32 v57, v6  }
0x248: {  	v60 =	vld [tilespmem:s10+$0xFFFFFF20];
	[tilespmem:s10+$0xFFFFFE30] =	vst v8;
	v8 =	vmul.f32 v58, v6  }
0x249: {  	v61 =	vld [tilespmem:s10+$0xFFFFFF30];
	[tilespmem:s10+$0xFFFFFE80] =	vst v5;
	v5 =	vmul.f32 v59, v6  }
0x24a: {  	[tilespmem:s10+$0xFFFFFE90] =	vst v8;
	v6 =	vmul.f32 v7, v6;
	v7 =	vld [tilespmem:s10+$0xFFFFFF80]  }
0x24b: {  	v62 =	vld [tilespmem:s10+$0xFFFFFF90];
	[tilespmem:s10+$0xFFFFFEA0] =	vst v5;
	v5 =	vmul.f32 v9, v10  }
0x24c: {  	v63 =	vld [tilespmem:s10+$0xFFFFFFA0];
	[tilespmem:s10+$0xFFFFFEB0] =	vst v6;
	v6 =	vmul.f32 v11, v10  }
0x24d: {  	v9 =	vld [tilespmem:s10+$0xFFFFFFB0];
	[tilespmem:s10+$0xFFFFFF00] =	vst v5;
	v5 =	vmul.f32 v60, v10  }
0x24e: {  	v8 =	vld [tilespmem:s10+$0x0];
	[tilespmem:s10+$0xFFFFFF10] =	vst v6;
	v6 =	vmul.f32 v61, v10  }
0x24f: {  	v10 =	vmul.f32 v7, v4;
	v7 =	vld [tilespmem:s10+$0x10];
	[tilespmem:s10+$0xFFFFFF20] =	vst v5  }
0x250: {  	v11 =	vmul.f32 v62, v4;
	[tilespmem:s10+$0xFFFFFF30] =	vst v6;
	v5 =	vld [tilespmem:s10+$0x20]  }
0x251: {  	s0 =	simm.s32 $0x0;
	v6 =	vld [tilespmem:s10+$0x30];
	[tilespmem:s10+$0xFFFFFF80] =	vst v10;
	v10 =	vmul.f32 v63, v4  }
.LBB2_13:
0x252: {  	s1 =	sadd.s32 $0xD7, s0;
	[tilespmem:s10+$0xFFFFFF90] =	vst v11;
	v4 =	vmul.f32 v9, v4;
	v9 =	vld [tilespmem:s10+$0x80]  }
0x253: {  	s6 =	sadd.s32 $0xD0, s0;
	s19 =	sadd.s32 $0xD1, s0;
	v11 =	vmov s1;
	[tilespmem:s10+$0xFFFFFFA0] =	vst v10;
	v8 =	vmul.f32 v8, v3;
	v10 =	vld [tilespmem:s10+$0x90]  }
0x254: {  	v12 =	vmov s6;
	v13 =	vmov s19;
	s1 =	sadd.s32 $0xD2, s0;
	s6 =	sadd.s32 $0xD3, s0;
	[tilespmem:s10+$0xFFFFFFB0] =	vst v4;
	v4 =	vmul.f32 v7, v3;
	v7 =	vld [tilespmem:s10+$0xA0]  }
0x255: {  	v14 =	vmov s1;
	v15 =	vmov s6;
	s1 =	sadd.s32 $0xD4, s0;
	s6 =	sadd.s32 $0xD5, s0;
	[tilespmem:s10+$0x0] =	vst v8;
	v5 =	vmul.f32 v5, v3;
	v8 =	vld [tilespmem:s10+$0xB0]  }
0x256: {  	v16 =	vmov s1;
	v17 =	vmov s6;
	[tilespmem:s10+$0x10] =	vst v4;
	v3 =	vmul.f32 v6, v3;
	v4 =	vld [tilespmem:s10+$0x100]  }
0x257: {  	v6 =	vand.u32 $0xFFFFFFF8, v12;
	v12 =	vand.u32 $0xFFFFFFF9, v13;
	[tilespmem:s10+$0x20] =	vst v5;
	v5 =	vmul.f32 v9, v2;
	v9 =	vld [tilespmem:s10+$0x110]  }
0x258: {  	v13 =	vand.u32 $0xFFFFFFFA, v14;
	v6 =	vbroadcast v6, $0x0;
	[tilespmem:s10+$0x30] =	vst v3;
	v3 =	vmul.f32 v10, v2;
	v10 =	vld [tilespmem:s10+$0x120]  }
0x259: {  	v14 =	vand.u32 $0xFFFFFFFB, v15;
	v12 =	vbroadcast v12, $0x0;
	[tilespmem:s10+$0x80] =	vst v5;
	v5 =	vmul.f32 v7, v2;
	v7 =	vld [tilespmem:s10+$0x180]  }
0x25a: {  	v15 =	vand.u32 $0xFFFFFFFC, v16;
	v13 =	vbroadcast v13, $0x0;
	[tilespmem:s10+$0x90] =	vst v3;
	v2 =	vmul.f32 v8, v2;
	v3 =	vld [tilespmem:s10+$0x190]  }
0x25b: {  	s1 =	sadd.s32 $0xD6, s0;
	s0 =	sadd.s32 $0x8, s0;
	v8 =	vbroadcast v14, $0x0;
	v14 =	vand.u32 $0xFFFFFFFD, v17;
	[tilespmem:s10+$0xA0] =	vst v5;
	v4 =	vmul.f32 v4, v1;
	v5 =	vld [tilespmem:s10+$0x1A0]  }
0x25c: {  	v16 =	vmov s1;
	p1 =	slt.u32 s0, $0xC0;
	v15 =	vbroadcast v15, $0x0;
	[tilespmem:s10+$0xB0] =	vst v2;
	v2 =	vmul.f32 v9, v1;
	v9 =	vld [tilespmem:s10+$0x1B0]  }
0x25d: {  	v16 =	vand.u32 $0xFFFFFFFE, v16;
	v14 =	vbroadcast v14, $0x0;
	v11 =	vld.idx.msk [tilespmem:v11+s25+$0x0], $0xffff;
	[tilespmem:s10+$0x100] =	vst v4;
	v1 =	vmul.f32 v10, v1  }
0x25e: {  	v10 =	vbroadcast v16, $0x0;
	v6 =	vld.idx.msk [tilespmem:v6+s25+$0x0], $0xffff;
	[tilespmem:s10+$0x110] =	vst v2;
	v2 =	vmul.f32 v7, v0  }
0x25f: {  	v7 =	vld.idx.msk [tilespmem:v12+s25+$0x0], $0xffff;
	[tilespmem:s10+$0x120] =	vst v1;
	v1 =	vmul.f32 v3, v0  }
0x260: {  	v12 =	vld.idx.msk [tilespmem:v13+s25+$0x0], $0xffff;
	[tilespmem:s10+$0x180] =	vst v2;
	v2 =	vmul.f32 v5, v0  }
0x261: {  	v4 =	vld.idx.msk [tilespmem:v8+s25+$0x0], $0xffff;
	[tilespmem:s10+$0x190] =	vst v1;
	v1 =	vmul.f32 v9, v0  }
0x262: {  	v3 =	vld.idx.msk [tilespmem:v15+s25+$0x0], $0xffff;
	[tilespmem:s10+$0x1A0] =	vst v2  }
0x263: {  	v0 =	vmov v11;
	v2 =	vld.idx.msk [tilespmem:v14+s25+$0x0], $0xffff;
	[tilespmem:s10+$0x1B0] =	vst v1  }
0x264: {  	s10 =	sadd.s32 $0x400, s10;
	v1 =	vld.idx.msk [tilespmem:v10+s25+$0x0], $0xffff  }
0x265: {  	v5 =	vld [tilespmem:s10+$0x130]  }
0x266: {  	v8 =	vld [tilespmem:s10+$0xFFFFFE00]  }
0x267: {  	v9 =	vld [tilespmem:s10+$0xFFFFFE10]  }
0x268: {  	v10 =	vld [tilespmem:s10+$0xFFFFFE20]  }
0x269: {  	v11 =	vld [tilespmem:s10+$0xFFFFFE30]  }
0x26a: {  	v13 =	vld [tilespmem:s10+$0xFFFFFE80];
	v5 =	vmul.f32 v5, v1  }
0x26b: {  	v8 =	vmul.f32 v8, v6;
	v14 =	vld [tilespmem:s10+$0xFFFFFE90]  }
0x26c: {  	v9 =	vmul.f32 v9, v6;
	v15 =	vld [tilespmem:s10+$0xFFFFFEA0];
	[tilespmem:s10+$0x130] =	vst v5  }
0x26d: {  	[tilespmem:s10+$0xFFFFFE00] =	vst v8;
	v5 =	vmul.f32 v10, v6;
	v8 =	vld [tilespmem:s10+$0xFFFFFEB0]  }
0x26e: {  	[tilespmem:s10+$0xFFFFFE10] =	vst v9;
	v6 =	vmul.f32 v11, v6;
	v9 =	vld [tilespmem:s10+$0xFFFFFF00]  }
0x26f: {  	[tilespmem:s10+$0xFFFFFE20] =	vst v5;
	v5 =	vmul.f32 v13, v7;
	v10 =	vld [tilespmem:s10+$0xFFFFFF10]  }
0x270: {  	[tilespmem:s10+$0xFFFFFE30] =	vst v6;
	v6 =	vmul.f32 v14, v7;
	v11 =	vld [tilespmem:s10+$0xFFFFFF20]  }
0x271: {  	[tilespmem:s10+$0xFFFFFE80] =	vst v5;
	v5 =	vmul.f32 v15, v7;
	v13 =	vld [tilespmem:s10+$0xFFFFFF30]  }
0x272: {  	[tilespmem:s10+$0xFFFFFE90] =	vst v6;
	v6 =	vmul.f32 v8, v7;
	v7 =	vld [tilespmem:s10+$0xFFFFFF80]  }
0x273: {  	[tilespmem:s10+$0xFFFFFEA0] =	vst v5;
	v5 =	vmul.f32 v9, v12;
	v14 =	vld [tilespmem:s10+$0xFFFFFF90]  }
0x274: {  	[tilespmem:s10+$0xFFFFFEB0] =	vst v6;
	v6 =	vmul.f32 v10, v12;
	v10 =	vld [tilespmem:s10+$0xFFFFFFA0]  }
.Ltmp7:
0x275: {  	[tilespmem:s10+$0xFFFFFF00] =	vst v5;
	v5 =	vmul.f32 v11, v12;
	v9 =	vld [tilespmem:s10+$0xFFFFFFB0];
	(pc) =	sbr.rel @p1 .LBB2_13-.Ltmp7, $4  }
0x276: {  	[tilespmem:s10+$0xFFFFFF10] =	vst v6;
	v6 =	vmul.f32 v13, v12;
	v8 =	vld [tilespmem:s10+$0x0]  }
0x277: {  	[tilespmem:s10+$0xFFFFFF20] =	vst v5;
	v12 =	vmul.f32 v7, v4;
	v7 =	vld [tilespmem:s10+$0x10]  }
0x278: {  	[tilespmem:s10+$0xFFFFFF30] =	vst v6;
	v11 =	vmul.f32 v14, v4;
	v5 =	vld [tilespmem:s10+$0x20]  }
0x279: {  	[tilespmem:s10+$0xFFFFFF80] =	vst v12;
	v10 =	vmul.f32 v10, v4;
	v6 =	vld [tilespmem:s10+$0x30]  }
0x27a: {  	[tilespmem:s10+$0xFFFFFF90] =	vst v11;
	v4 =	vmul.f32 v9, v4;
	v41 =	vld [tilespmem:s10+$0x80]  }
0x27b: {  	v42 =	vld [tilespmem:s10+$0x90];
	[tilespmem:s10+$0xFFFFFFA0] =	vst v10;
	v8 =	vmul.f32 v8, v3  }
0x27c: {  	v44 =	vld [tilespmem:s10+$0xA0];
	[tilespmem:s10+$0xFFFFFFB0] =	vst v4;
	v43 =	vmul.f32 v7, v3  }
0x27d: {  	v45 =	vld [tilespmem:s10+$0xB0];
	[tilespmem:s10+$0x0] =	vst v8;
	v5 =	vmul.f32 v5, v3  }
0x27e: {  	v47 =	vld [tilespmem:s10+$0x100];
	[tilespmem:s10+$0x10] =	vst v43;
	v46 =	vmul.f32 v6, v3  }
0x27f: {  	v49 =	vld [tilespmem:s10+$0x110];
	[tilespmem:s10+$0x20] =	vst v5;
	v48 =	vmul.f32 v41, v2  }
0x280: {  	v51 =	vld [tilespmem:s10+$0x120];
	v50 =	vmul.f32 v42, v2;
	[tilespmem:s10+$0x30] =	vst v46  }
0x281: {  	v53 =	vld [tilespmem:s10+$0x180];
	v52 =	vmul.f32 v44, v2;
	[tilespmem:s10+$0x80] =	vst v48  }
0x282: {  	v55 =	vld [tilespmem:s10+$0x190];
	v54 =	vmul.f32 v45, v2;
	[tilespmem:s10+$0x90] =	vst v50  }
0x283: {  	v56 =	vld [tilespmem:s10+$0x1A0];
	v4 =	vmul.f32 v47, v1;
	[tilespmem:s10+$0xA0] =	vst v52  }
0x284: {  	v58 =	vld [tilespmem:s10+$0x1B0];
	v57 =	vmul.f32 v49, v1;
	[tilespmem:s10+$0xB0] =	vst v54  }
0x285: {  	v59 =	vmul.f32 v51, v1;
	[tilespmem:s10+$0x100] =	vst v4  }
0x286: {  	v60 =	vmul.f32 v53, v0;
	[tilespmem:s10+$0x110] =	vst v57  }
0x287: {  	v61 =	vmul.f32 v55, v0;
	[tilespmem:s10+$0x120] =	vst v59  }
.Ltmp8:
0x288: {  	v62 =	vmul.f32 v56, v0;
	[tilespmem:s10+$0x180] =	vst v60;
	(pc) =	sbr.rel @p0 .LBB2_16-.Ltmp8, $4  }
0x289: {  	v63 =	vmul.f32 v58, v0;
	[tilespmem:s10+$0x190] =	vst v61  }
0x28a: {  	[tilespmem:s10+$0x1A0] =	vst v62  }
0x28b: {  	s0 =	sadd.s32 s9, s16;
	[tilespmem:s10+$0x1B0] =	vst v63  }
0x28c: {  	[hbm4b:s0+s4] =	stream.linear.scatter [tilespmem:s26], [sflag:$0x8], $0x6400, $0x38;
	[tilespmem:$0x19700] =	vst v63  }
.Ltmp9:
0x28d: {  	s0 =	sadd.s32 s12, s15;
	(pc) =	sbr.rel .LBB2_2-.Ltmp9, $4  }
0x28e: {  	_ =	swait.ge [sflag:s2], $0x6400;
	s0 =	smul.u32 $0xC80, s0  }
0x28f: {  	[sflag:s2] =	ssyncset.done $0x0  }
0x290: {  	s11 =	sadd.s32 $0x1, s11;
	[sflag:s2] =	ssyncadd.s32 $0xFFFF9C00;
	s0 =	sadd.s32 s8, s0  }
0x291: {  	[tilespmem:s21], [sflag:$0x3] =	stream.linear.gather [hbm4b:s0+s4], $0x6400, $0x38;
	[tilespmem:$0x19700] =	vst v63  }
.LBB2_17:
0x292: {  	_ =	sfence.sel $0x180000  }
0x293: {  	[bflag:$0x0] =	sbarrier.arrive $0xFFFF  }
0x294: {  	_ =	strace $0x90000047  }
0x295: {  	s0 =	stileid.u32;
	[bflag:$0x2] =	sbarrier.arrive $0xFFFF  }
0x296: {  	p0 =	sne.s32 s0, $0x0;
	s0 =	rddreg [dreg:$0x3]  }
0x297: {  	s0 =	sadd.s32 @!p0 $0x100000, s0  }
0x298: {  	[sflag:s0] =	ssyncadd.tile.s32 @!p0 $0x1;
	_ =	shalt  }
.Lfunc_end2:
_tile_overlayer_lowered:
.L_overlay_start_2:
0x299: {  	(tag) =	ssettag $0x2  }
0x29a: {  	s0 =	rddreg [dreg:$0x0];
	s2 =	stileid.u32  }
0x29b: {  	s1 =	rddreg [dreg:$0x1];
	p0 =	sne.s32 s2, $0x0  }
0x29c: {  	s3 =	rddreg [dreg:$0x2];
	[bflag:$0x3] =	sbarrier.arrive $0xFFFF;
	s2 =	simm.s32 @!p0 $0x1C09  }
0x29d: {  	[timem:s3], [sflag:s2] =	dma.local @!p0 [hbm:s0], s1  }
0x29e: {  	s0 =	simm.s32 @!p0 $0x9  }
0x29f: {  	_ =	swait.ge @!p0 [sflag:s0], s1  }
0x2a0: {  	s1 =	ssub.s32 @!p0 $0x0, s1;
	[sflag:s0] =	ssyncset.done @!p0 $0x0  }
0x2a1: {  	[sflag:s0] =	ssyncadd.s32 @!p0 s1  }
0x2a2: {  	[bflag:$0x3] =	sbarrier.arrive $0xFFFF  }
0x2a3: {  	_ =	shalt  }

</sc_bundles>
